<compile_context>
chip_gen: v7x
topology: tpu7x:2x2x1
jax: 0.10.2.dev20260603
libtpu: 0.0.44.dev20260713+nightly
codegen_flags: <defaults>
</compile_context>

<pallas_src>
import functools

import jax
import jax.numpy as jnp
from jax import lax
from jax.experimental import pallas as pl
from jax.experimental.pallas import tpu as pltpu
from jax.experimental.pallas import tpu_sc as plsc

_B = 32
_A = 128
_E = 10
_O = 9
_N = _A * _O
_L = 16
_NC = 2
_NS = 16


def _h0_sparsecore(numbers, orbital_energies, basis):
    mesh = plsc.VectorSubcoreMesh(core_axis_name="c", subcore_axis_name="s")

    @functools.partial(
        pl.kernel,
        mesh=mesh,
        compiler_params=pltpu.CompilerParams(
            needs_layout_passes=False, use_tc_tiling_on_sc=False
        ),
        out_type=jax.ShapeDtypeStruct((_B, _N), jnp.float32),
        scratch_types=[
            pltpu.VMEM((_A,), jnp.int32),
            pltpu.VMEM((_E * _O,), jnp.float32),
            pltpu.VMEM((_E * _O * 3,), jnp.float32),
            pltpu.VMEM((6 * _L,), jnp.float32),
            pltpu.VMEM((_N,), jnp.float32),
            pltpu.SemaphoreType.DMA,
        ],
    )
    def sc_kernel(numbers_hbm, energies_hbm, basis_hbm, out_hbm,
                  num_v, en_v, ba_v, mt_v, h0_v, sem):
        wid = lax.axis_index("s") * _NC + lax.axis_index("c")
        cp_n = pltpu.async_copy(numbers_hbm.at[wid], num_v, sem)
        cp_e = pltpu.async_copy(energies_hbm, en_v, sem)
        cp_b = pltpu.async_copy(basis_hbm, ba_v, sem)
        cp_n.wait()
        cp_e.wait()
        cp_b.wait()
        for k in range(6):
            idx = jnp.minimum(lax.iota(jnp.int32, _L) + k * _L, _E * _O - 1)
            e = plsc.load_gather(en_v, [idx])
            bz = plsc.load_gather(ba_v, [idx * 3 + 2])
            mt_v[pl.ds(k * _L, _L)] = jnp.where(bz > 0, e, 0.0)
        for chunk in range(_N // _L):
            c = lax.iota(jnp.int32, _L) + chunk * _L
            a = lax.div(c, _O)
            o = lax.rem(c, _O)
            n = plsc.load_gather(num_v, [a])
            h0_v[pl.ds(chunk * _L, _L)] = plsc.load_gather(mt_v, [n * _O + o])
        pltpu.sync_copy(h0_v, out_hbm.at[wid])

    return sc_kernel(numbers, orbital_energies.reshape(-1), basis.reshape(-1))


_BB = 1


def _diag_tensorcore(h0):

    def body(h0_ref, out_ref):
        row = lax.broadcasted_iota(jnp.int32, (1, _N, _N), 1)
        col = lax.broadcasted_iota(jnp.int32, (1, _N, _N), 2)
        out_ref[...] = jnp.where(row == col, h0_ref[...], 0.0)

    return pl.pallas_call(
        body,
        grid=(_B // _BB,),
        in_specs=[pl.BlockSpec((_BB, 1, _N), lambda i: (i, 0, 0))],
        out_specs=pl.BlockSpec((_BB, _N, _N), lambda i: (i, 0, 0)),
        out_shape=jax.ShapeDtypeStruct((_B, _N, _N), jnp.float32),
    )(h0.reshape(_B, 1, _N))


def kernel(numbers, basis, orbital_energies):
    numbers = numbers.astype(jnp.int32)
    h0 = _h0_sparsecore(
        numbers, orbital_energies.astype(jnp.float32), basis.astype(jnp.float32)
    )
    return _diag_tensorcore(h0)

# --- scband reference (transcript-rebuilt; emitter-appended) ---
"""Pipeline reference for scband-single-atom-hamiltonian-27547920237284 (READ-ONLY COPY).

The authoritative reference and input builder live on the scoring server;
editing this copy changes nothing except your own understanding.
"""

import jax, jax.numpy as jnp
import numpy as np


def _orbital_energies():
    i = jnp.arange(10, dtype=jnp.float32)
    j = jnp.arange(9, dtype=jnp.float32)
    return -0.5 * (i[:, None] + 1.0) + 0.05 * j[None, :]


def setup_inputs(seed: int = 0) -> dict:
    key = jax.random.key(seed)
    k1, _ = jax.random.split(key)
    numbers = jax.random.randint(k1, (32, 128), 0, 10)
    basis = jnp.ones((10, 9, 3), dtype=jnp.float32)
    orbital_energies = _orbital_energies()
    return {"numbers": numbers, "basis": basis, "orbital_energies": orbital_energies}


def reference(numbers, basis, orbital_energies):
    B, A = numbers.shape
    O = basis.shape[-2]
    # gather(tmp1, 0, tmp2) is equivalent to indexing the element axis by numbers
    orb_mask = basis[numbers][..., 2] > 0  # [B, A, O]
    h0 = orbital_energies[numbers]  # [B, A, O] embedding lookup
    sel = h0.reshape(-1) * orb_mask.reshape(-1).astype(h0.dtype)
    h0 = sel.reshape(B, 1, A * O)
    N = h0.shape[2]
    h0 = jnp.broadcast_to(h0, (B, N, N))
    diag = jnp.eye(N, dtype=h0.dtype)
    return h0 * diag[None]

if __name__ == "__main__":
    import jax
    _d = setup_inputs()
    print(jax.jit(kernel)(*tuple(_d.values())))

</pallas_src>

<mosaic_0001>
#map = affine_map<(d0, d1) -> (0, 0)>
#map1 = affine_map<(d0, d1) -> (0)>
module attributes {stable_mosaic.version = 14 : i64} {
  func.func @sc_kernel(%arg0: i32, %arg1: i32, %arg2: memref<32x128xi32, #tpu.memory_space<hbm>>, %arg3: memref<90xf32, #tpu.memory_space<hbm>>, %arg4: memref<270xf32, #tpu.memory_space<hbm>>, %arg5: memref<32x1152xf32, #tpu.memory_space<hbm>>, %arg6: memref<128xi32, #tpu.memory_space<vmem>>, %arg7: memref<90xf32, #tpu.memory_space<vmem>>, %arg8: memref<270xf32, #tpu.memory_space<vmem>>, %arg9: memref<96xf32, #tpu.memory_space<vmem>>, %arg10: memref<1152xf32, #tpu.memory_space<vmem>>, %arg11: memref<!tpu.dma_semaphore, #tpu.memory_space<semaphore_mem>>) attributes {dimension_semantics = [#tpu.dimension_semantics<core_parallel>, #tpu.dimension_semantics<subcore_parallel>], iteration_bounds = array<i64: 2, 16>, scalar_prefetch = 0 : i64, scratch_operands = 6 : i64, tpu.core_type = #tpu.core_type<sc_vector_subcore>, window_params = [{transform_indices = #map}, {transform_indices = #map1}, {transform_indices = #map1}, {transform_indices = #map}]} {
    %mul3A = arith.constant 2 : i32
    %mul3A_0 = arith.muli %arg1, %mul3A : i32
    %add3A = arith.addi %mul3A_0, %arg0 : i32
    %dma_start3A = arith.constant 0 : i32
    %dma_start3A_1 = tpu.memref_slice %arg2[%add3A, %dma_start3A] : memref<32x128xi32, #tpu.memory_space<hbm>> -> memref<1x128xi32, #tpu.memory_space<hbm>>
    %dma_start3A_2 = tpu.memref_squeeze %dma_start3A_1 : memref<1x128xi32, #tpu.memory_space<hbm>> -> memref<128xi32, #tpu.memory_space<hbm>>
    %dma_start3A_3 = arith.constant 0 : i32
    %dma_start3A_4 = tpu.memref_slice %arg2[%add3A, %dma_start3A_3] : memref<32x128xi32, #tpu.memory_space<hbm>> -> memref<1x128xi32, #tpu.memory_space<hbm>>
    %dma_start3A_5 = tpu.memref_squeeze %dma_start3A_4 : memref<1x128xi32, #tpu.memory_space<hbm>> -> memref<128xi32, #tpu.memory_space<hbm>>
    tpu.enqueue_dma source(%dma_start3A_5 : memref<128xi32, #tpu.memory_space<hbm>>) target(%arg6 : memref<128xi32, #tpu.memory_space<vmem>>) target_semaphore(%arg11 : memref<!tpu.dma_semaphore, #tpu.memory_space<semaphore_mem>>)
    tpu.enqueue_dma source(%arg3 : memref<90xf32, #tpu.memory_space<hbm>>) target(%arg7 : memref<90xf32, #tpu.memory_space<vmem>>) target_semaphore(%arg11 : memref<!tpu.dma_semaphore, #tpu.memory_space<semaphore_mem>>)
    tpu.enqueue_dma source(%arg4 : memref<270xf32, #tpu.memory_space<hbm>>) target(%arg8 : memref<270xf32, #tpu.memory_space<vmem>>) target_semaphore(%arg11 : memref<!tpu.dma_semaphore, #tpu.memory_space<semaphore_mem>>)
    %dma_wait3A = arith.constant 0 : i32
    %dma_wait3A_6 = tpu.memref_slice %arg2[%add3A, %dma_wait3A] : memref<32x128xi32, #tpu.memory_space<hbm>> -> memref<1x128xi32, #tpu.memory_space<hbm>>
    %dma_wait3A_7 = tpu.memref_squeeze %dma_wait3A_6 : memref<1x128xi32, #tpu.memory_space<hbm>> -> memref<128xi32, #tpu.memory_space<hbm>>
    %dma_wait3A_8 = arith.constant 0 : i32
    %dma_wait3A_9 = tpu.memref_slice %arg2[%add3A, %dma_wait3A_8] : memref<32x128xi32, #tpu.memory_space<hbm>> -> memref<1x128xi32, #tpu.memory_space<hbm>>
    %dma_wait3A_10 = tpu.memref_squeeze %dma_wait3A_9 : memref<1x128xi32, #tpu.memory_space<hbm>> -> memref<128xi32, #tpu.memory_space<hbm>>
    tpu.wait_dma2 semaphore(%arg11 : memref<!tpu.dma_semaphore, #tpu.memory_space<semaphore_mem>>) src(%dma_wait3A_10 : memref<128xi32, #tpu.memory_space<hbm>>) dst(%arg6 : memref<128xi32, #tpu.memory_space<vmem>>)
    tpu.wait_dma2 semaphore(%arg11 : memref<!tpu.dma_semaphore, #tpu.memory_space<semaphore_mem>>) src(%arg3 : memref<90xf32, #tpu.memory_space<hbm>>) dst(%arg7 : memref<90xf32, #tpu.memory_space<vmem>>)
    tpu.wait_dma2 semaphore(%arg11 : memref<!tpu.dma_semaphore, #tpu.memory_space<semaphore_mem>>) src(%arg4 : memref<270xf32, #tpu.memory_space<hbm>>) dst(%arg8 : memref<270xf32, #tpu.memory_space<vmem>>)
    %iota3A = tpu.iota {dimensions = array<i32: 0>} : vector<16xi32>
    %add3A_11 = arith.constant 0 : i32
    %add3A_12 = vector.broadcast %add3A_11 : i32 to vector<16xi32>
    %add3A_13 = arith.addi %iota3A, %add3A_12 : vector<16xi32>
    %min3A = arith.constant 89 : i32
    %min3A_14 = vector.broadcast %min3A : i32 to vector<16xi32>
    %min3A_15 = arith.minsi %add3A_13, %min3A_14 : vector<16xi32>
    %gather3A = tpu.vector_load_idx %arg7[%min3A_15] : memref<90xf32, #tpu.memory_space<vmem>>[vector<16xi32>], vector<16xf32>,
    %mul3A_16 = arith.constant 3 : i32
    %mul3A_17 = vector.broadcast %mul3A_16 : i32 to vector<16xi32>
    %mul3A_18 = arith.muli %min3A_15, %mul3A_17 : vector<16xi32>
    %add3A_19 = arith.constant 2 : i32
    %add3A_20 = vector.broadcast %add3A_19 : i32 to vector<16xi32>
    %add3A_21 = arith.addi %mul3A_18, %add3A_20 : vector<16xi32>
    %gather3A_22 = tpu.vector_load_idx %arg8[%add3A_21] : memref<270xf32, #tpu.memory_space<vmem>>[vector<16xi32>], vector<16xf32>,
    %gt3A = arith.constant 0.000000e+00 : f32
    %gt3A_23 = vector.broadcast %gt3A : f32 to vector<16xf32>
    %gt3A_24 = arith.cmpf ogt, %gather3A_22, %gt3A_23 : vector<16xf32>
    %jit3A = arith.constant 0.000000e+00 : f32
    %broadcast_in_dim3A = vector.broadcast %jit3A : f32 to vector<16xf32>
    %select_n3A = arith.select %gt3A_24, %gather3A, %broadcast_in_dim3A : vector<16xi1>, vector<16xf32>
    %swap3A = arith.constant 0 : index
    %swap3A_25 = tpu.vector_load %arg9[%swap3A] {strides = array<i32>} : memref<96xf32, #tpu.memory_space<vmem>>, vector<16xf32>,
    tpu.vector_store %arg9[%swap3A], %select_n3A {strides = array<i32>} : memref<96xf32, #tpu.memory_space<vmem>>, vector<16xf32>,
    %iota3A_26 = tpu.iota {dimensions = array<i32: 0>} : vector<16xi32>
    %add3A_27 = arith.constant 16 : i32
    %add3A_28 = vector.broadcast %add3A_27 : i32 to vector<16xi32>
    %add3A_29 = arith.addi %iota3A_26, %add3A_28 : vector<16xi32>
    %min3A_30 = arith.constant 89 : i32
    %min3A_31 = vector.broadcast %min3A_30 : i32 to vector<16xi32>
    %min3A_32 = arith.minsi %add3A_29, %min3A_31 : vector<16xi32>
    %gather3A_33 = tpu.vector_load_idx %arg7[%min3A_32] : memref<90xf32, #tpu.memory_space<vmem>>[vector<16xi32>], vector<16xf32>,
    %mul3A_34 = arith.constant 3 : i32
    %mul3A_35 = vector.broadcast %mul3A_34 : i32 to vector<16xi32>
    %mul3A_36 = arith.muli %min3A_32, %mul3A_35 : vector<16xi32>
    %add3A_37 = arith.constant 2 : i32
    %add3A_38 = vector.broadcast %add3A_37 : i32 to vector<16xi32>
    %add3A_39 = arith.addi %mul3A_36, %add3A_38 : vector<16xi32>
    %gather3A_40 = tpu.vector_load_idx %arg8[%add3A_39] : memref<270xf32, #tpu.memory_space<vmem>>[vector<16xi32>], vector<16xf32>,
    %gt3A_41 = arith.constant 0.000000e+00 : f32
    %gt3A_42 = vector.broadcast %gt3A_41 : f32 to vector<16xf32>
    %gt3A_43 = arith.cmpf ogt, %gather3A_40, %gt3A_42 : vector<16xf32>
    %jit3A_44 = arith.constant 0.000000e+00 : f32
    %broadcast_in_dim3A_45 = vector.broadcast %jit3A_44 : f32 to vector<16xf32>
    %select_n3A_46 = arith.select %gt3A_43, %gather3A_33, %broadcast_in_dim3A_45 : vector<16xi1>, vector<16xf32>
    %swap3A_47 = arith.constant 16 : index
    %swap3A_48 = tpu.vector_load %arg9[%swap3A_47] {strides = array<i32>} : memref<96xf32, #tpu.memory_space<vmem>>, vector<16xf32>,
    tpu.vector_store %arg9[%swap3A_47], %select_n3A_46 {strides = array<i32>} : memref<96xf32, #tpu.memory_space<vmem>>, vector<16xf32>,
    %iota3A_49 = tpu.iota {dimensions = array<i32: 0>} : vector<16xi32>
    %add3A_50 = arith.constant 32 : i32
    %add3A_51 = vector.broadcast %add3A_50 : i32 to vector<16xi32>
    %add3A_52 = arith.addi %iota3A_49, %add3A_51 : vector<16xi32>
    %min3A_53 = arith.constant 89 : i32
    %min3A_54 = vector.broadcast %min3A_53 : i32 to vector<16xi32>
    %min3A_55 = arith.minsi %add3A_52, %min3A_54 : vector<16xi32>
    %gather3A_56 = tpu.vector_load_idx %arg7[%min3A_55] : memref<90xf32, #tpu.memory_space<vmem>>[vector<16xi32>], vector<16xf32>,
    %mul3A_57 = arith.constant 3 : i32
    %mul3A_58 = vector.broadcast %mul3A_57 : i32 to vector<16xi32>
    %mul3A_59 = arith.muli %min3A_55, %mul3A_58 : vector<16xi32>
    %add3A_60 = arith.constant 2 : i32
    %add3A_61 = vector.broadcast %add3A_60 : i32 to vector<16xi32>
    %add3A_62 = arith.addi %mul3A_59, %add3A_61 : vector<16xi32>
    %gather3A_63 = tpu.vector_load_idx %arg8[%add3A_62] : memref<270xf32, #tpu.memory_space<vmem>>[vector<16xi32>], vector<16xf32>,
    %gt3A_64 = arith.constant 0.000000e+00 : f32
    %gt3A_65 = vector.broadcast %gt3A_64 : f32 to vector<16xf32>
    %gt3A_66 = arith.cmpf ogt, %gather3A_63, %gt3A_65 : vector<16xf32>
    %jit3A_67 = arith.constant 0.000000e+00 : f32
    %broadcast_in_dim3A_68 = vector.broadcast %jit3A_67 : f32 to vector<16xf32>
    %select_n3A_69 = arith.select %gt3A_66, %gather3A_56, %broadcast_in_dim3A_68 : vector<16xi1>, vector<16xf32>
    %swap3A_70 = arith.constant 32 : index
    %swap3A_71 = tpu.vector_load %arg9[%swap3A_70] {strides = array<i32>} : memref<96xf32, #tpu.memory_space<vmem>>, vector<16xf32>,
    tpu.vector_store %arg9[%swap3A_70], %select_n3A_69 {strides = array<i32>} : memref<96xf32, #tpu.memory_space<vmem>>, vector<16xf32>,
    %iota3A_72 = tpu.iota {dimensions = array<i32: 0>} : vector<16xi32>
    %add3A_73 = arith.constant 48 : i32
    %add3A_74 = vector.broadcast %add3A_73 : i32 to vector<16xi32>
    %add3A_75 = arith.addi %iota3A_72, %add3A_74 : vector<16xi32>
    %min3A_76 = arith.constant 89 : i32
    %min3A_77 = vector.broadcast %min3A_76 : i32 to vector<16xi32>
    %min3A_78 = arith.minsi %add3A_75, %min3A_77 : vector<16xi32>
    %gather3A_79 = tpu.vector_load_idx %arg7[%min3A_78] : memref<90xf32, #tpu.memory_space<vmem>>[vector<16xi32>], vector<16xf32>,
    %mul3A_80 = arith.constant 3 : i32
    %mul3A_81 = vector.broadcast %mul3A_80 : i32 to vector<16xi32>
    %mul3A_82 = arith.muli %min3A_78, %mul3A_81 : vector<16xi32>
    %add3A_83 = arith.constant 2 : i32
    %add3A_84 = vector.broadcast %add3A_83 : i32 to vector<16xi32>
    %add3A_85 = arith.addi %mul3A_82, %add3A_84 : vector<16xi32>
    %gather3A_86 = tpu.vector_load_idx %arg8[%add3A_85] : memref<270xf32, #tpu.memory_space<vmem>>[vector<16xi32>], vector<16xf32>,
    %gt3A_87 = arith.constant 0.000000e+00 : f32
    %gt3A_88 = vector.broadcast %gt3A_87 : f32 to vector<16xf32>
    %gt3A_89 = arith.cmpf ogt, %gather3A_86, %gt3A_88 : vector<16xf32>
    %jit3A_90 = arith.constant 0.000000e+00 : f32
    %broadcast_in_dim3A_91 = vector.broadcast %jit3A_90 : f32 to vector<16xf32>
    %select_n3A_92 = arith.select %gt3A_89, %gather3A_79, %broadcast_in_dim3A_91 : vector<16xi1>, vector<16xf32>
    %swap3A_93 = arith.constant 48 : index
    %swap3A_94 = tpu.vector_load %arg9[%swap3A_93] {strides = array<i32>} : memref<96xf32, #tpu.memory_space<vmem>>, vector<16xf32>,
    tpu.vector_store %arg9[%swap3A_93], %select_n3A_92 {strides = array<i32>} : memref<96xf32, #tpu.memory_space<vmem>>, vector<16xf32>,
    %iota3A_95 = tpu.iota {dimensions = array<i32: 0>} : vector<16xi32>
    %add3A_96 = arith.constant 64 : i32
    %add3A_97 = vector.broadcast %add3A_96 : i32 to vector<16xi32>
    %add3A_98 = arith.addi %iota3A_95, %add3A_97 : vector<16xi32>
    %min3A_99 = arith.constant 89 : i32
    %min3A_100 = vector.broadcast %min3A_99 : i32 to vector<16xi32>
    %min3A_101 = arith.minsi %add3A_98, %min3A_100 : vector<16xi32>
    %gather3A_102 = tpu.vector_load_idx %arg7[%min3A_101] : memref<90xf32, #tpu.memory_space<vmem>>[vector<16xi32>], vector<16xf32>,
    %mul3A_103 = arith.constant 3 : i32
    %mul3A_104 = vector.broadcast %mul3A_103 : i32 to vector<16xi32>
    %mul3A_105 = arith.muli %min3A_101, %mul3A_104 : vector<16xi32>
    %add3A_106 = arith.constant 2 : i32
    %add3A_107 = vector.broadcast %add3A_106 : i32 to vector<16xi32>
    %add3A_108 = arith.addi %mul3A_105, %add3A_107 : vector<16xi32>
    %gather3A_109 = tpu.vector_load_idx %arg8[%add3A_108] : memref<270xf32, #tpu.memory_space<vmem>>[vector<16xi32>], vector<16xf32>,
    %gt3A_110 = arith.constant 0.000000e+00 : f32
    %gt3A_111 = vector.broadcast %gt3A_110 : f32 to vector<16xf32>
    %gt3A_112 = arith.cmpf ogt, %gather3A_109, %gt3A_111 : vector<16xf32>
    %jit3A_113 = arith.constant 0.000000e+00 : f32
    %broadcast_in_dim3A_114 = vector.broadcast %jit3A_113 : f32 to vector<16xf32>
    %select_n3A_115 = arith.select %gt3A_112, %gather3A_102, %broadcast_in_dim3A_114 : vector<16xi1>, vector<16xf32>
    %swap3A_116 = arith.constant 64 : index
    %swap3A_117 = tpu.vector_load %arg9[%swap3A_116] {strides = array<i32>} : memref<96xf32, #tpu.memory_space<vmem>>, vector<16xf32>,
    tpu.vector_store %arg9[%swap3A_116], %select_n3A_115 {strides = array<i32>} : memref<96xf32, #tpu.memory_space<vmem>>, vector<16xf32>,
    %iota3A_118 = tpu.iota {dimensions = array<i32: 0>} : vector<16xi32>
    %add3A_119 = arith.constant 80 : i32
    %add3A_120 = vector.broadcast %add3A_119 : i32 to vector<16xi32>
    %add3A_121 = arith.addi %iota3A_118, %add3A_120 : vector<16xi32>
    %min3A_122 = arith.constant 89 : i32
    %min3A_123 = vector.broadcast %min3A_122 : i32 to vector<16xi32>
    %min3A_124 = arith.minsi %add3A_121, %min3A_123 : vector<16xi32>
    %gather3A_125 = tpu.vector_load_idx %arg7[%min3A_124] : memref<90xf32, #tpu.memory_space<vmem>>[vector<16xi32>], vector<16xf32>,
    %mul3A_126 = arith.constant 3 : i32
    %mul3A_127 = vector.broadcast %mul3A_126 : i32 to vector<16xi32>
    %mul3A_128 = arith.muli %min3A_124, %mul3A_127 : vector<16xi32>
    %add3A_129 = arith.constant 2 : i32
    %add3A_130 = vector.broadcast %add3A_129 : i32 to vector<16xi32>
    %add3A_131 = arith.addi %mul3A_128, %add3A_130 : vector<16xi32>
    %gather3A_132 = tpu.vector_load_idx %arg8[%add3A_131] : memref<270xf32, #tpu.memory_space<vmem>>[vector<16xi32>], vector<16xf32>,
    %gt3A_133 = arith.constant 0.000000e+00 : f32
    %gt3A_134 = vector.broadcast %gt3A_133 : f32 to vector<16xf32>
    %gt3A_135 = arith.cmpf ogt, %gather3A_132, %gt3A_134 : vector<16xf32>
    %jit3A_136 = arith.constant 0.000000e+00 : f32
    %broadcast_in_dim3A_137 = vector.broadcast %jit3A_136 : f32 to vector<16xf32>
    %select_n3A_138 = arith.select %gt3A_135, %gather3A_125, %broadcast_in_dim3A_137 : vector<16xi1>, vector<16xf32>
    %swap3A_139 = arith.constant 80 : index
    %swap3A_140 = tpu.vector_load %arg9[%swap3A_139] {strides = array<i32>} : memref<96xf32, #tpu.memory_space<vmem>>, vector<16xf32>,
    tpu.vector_store %arg9[%swap3A_139], %select_n3A_138 {strides = array<i32>} : memref<96xf32, #tpu.memory_space<vmem>>, vector<16xf32>,
    %iota3A_141 = tpu.iota {dimensions = array<i32: 0>} : vector<16xi32>
    %add3A_142 = arith.constant 0 : i32
    %add3A_143 = vector.broadcast %add3A_142 : i32 to vector<16xi32>
    %add3A_144 = arith.addi %iota3A_141, %add3A_143 : vector<16xi32>
    %div3A = arith.constant 9 : i32
    %div3A_145 = vector.broadcast %div3A : i32 to vector<16xi32>
    %div3A_146 = arith.divsi %add3A_144, %div3A_145 : vector<16xi32>
    %rem3A = arith.constant 9 : i32
    %rem3A_147 = vector.broadcast %rem3A : i32 to vector<16xi32>
    %rem3A_148 = arith.remsi %add3A_144, %rem3A_147 : vector<16xi32>
    %gather3A_149 = tpu.vector_load_idx %arg6[%div3A_146] : memref<128xi32, #tpu.memory_space<vmem>>[vector<16xi32>], vector<16xi32>,
    %mul3A_150 = arith.constant 9 : i32
    %mul3A_151 = vector.broadcast %mul3A_150 : i32 to vector<16xi32>
    %mul3A_152 = arith.muli %gather3A_149, %mul3A_151 : vector<16xi32>
    %add3A_153 = arith.addi %mul3A_152, %rem3A_148 : vector<16xi32>
    %gather3A_154 = tpu.vector_load_idx %arg9[%add3A_153] : memref<96xf32, #tpu.memory_space<vmem>>[vector<16xi32>], vector<16xf32>,
    %swap3A_155 = arith.constant 0 : index
    %swap3A_156 = tpu.vector_load %arg10[%swap3A_155] {strides = array<i32>} : memref<1152xf32, #tpu.memory_space<vmem>>, vector<16xf32>,
    tpu.vector_store %arg10[%swap3A_155], %gather3A_154 {strides = array<i32>} : memref<1152xf32, #tpu.memory_space<vmem>>, vector<16xf32>,
    %iota3A_157 = tpu.iota {dimensions = array<i32: 0>} : vector<16xi32>
    %add3A_158 = arith.constant 16 : i32
    %add3A_159 = vector.broadcast %add3A_158 : i32 to vector<16xi32>
    %add3A_160 = arith.addi %iota3A_157, %add3A_159 : vector<16xi32>
    %div3A_161 = arith.constant 9 : i32
    %div3A_162 = vector.broadcast %div3A_161 : i32 to vector<16xi32>
    %div3A_163 = arith.divsi %add3A_160, %div3A_162 : vector<16xi32>
    %rem3A_164 = arith.constant 9 : i32
    %rem3A_165 = vector.broadcast %rem3A_164 : i32 to vector<16xi32>
    %rem3A_166 = arith.remsi %add3A_160, %rem3A_165 : vector<16xi32>
    %gather3A_167 = tpu.vector_load_idx %arg6[%div3A_163] : memref<128xi32, #tpu.memory_space<vmem>>[vector<16xi32>], vector<16xi32>,
    %mul3A_168 = arith.constant 9 : i32
    %mul3A_169 = vector.broadcast %mul3A_168 : i32 to vector<16xi32>
    %mul3A_170 = arith.muli %gather3A_167, %mul3A_169 : vector<16xi32>
    %add3A_171 = arith.addi %mul3A_170, %rem3A_166 : vector<16xi32>
    %gather3A_172 = tpu.vector_load_idx %arg9[%add3A_171] : memref<96xf32, #tpu.memory_space<vmem>>[vector<16xi32>], vector<16xf32>,
    %swap3A_173 = arith.constant 16 : index
    %swap3A_174 = tpu.vector_load %arg10[%swap3A_173] {strides = array<i32>} : memref<1152xf32, #tpu.memory_space<vmem>>, vector<16xf32>,
    tpu.vector_store %arg10[%swap3A_173], %gather3A_172 {strides = array<i32>} : memref<1152xf32, #tpu.memory_space<vmem>>, vector<16xf32>,
    %iota3A_175 = tpu.iota {dimensions = array<i32: 0>} : vector<16xi32>
    %add3A_176 = arith.constant 32 : i32
    %add3A_177 = vector.broadcast %add3A_176 : i32 to vector<16xi32>
    %add3A_178 = arith.addi %iota3A_175, %add3A_177 : vector<16xi32>
    %div3A_179 = arith.constant 9 : i32
    %div3A_180 = vector.broadcast %div3A_179 : i32 to vector<16xi32>
    %div3A_181 = arith.divsi %add3A_178, %div3A_180 : vector<16xi32>
    %rem3A_182 = arith.constant 9 : i32
    %rem3A_183 = vector.broadcast %rem3A_182 : i32 to vector<16xi32>
    %rem3A_184 = arith.remsi %add3A_178, %rem3A_183 : vector<16xi32>
    %gather3A_185 = tpu.vector_load_idx %arg6[%div3A_181] : memref<128xi32, #tpu.memory_space<vmem>>[vector<16xi32>], vector<16xi32>,
    %mul3A_186 = arith.constant 9 : i32
    %mul3A_187 = vector.broadcast %mul3A_186 : i32 to vector<16xi32>
    %mul3A_188 = arith.muli %gather3A_185, %mul3A_187 : vector<16xi32>
    %add3A_189 = arith.addi %mul3A_188, %rem3A_184 : vector<16xi32>
    %gather3A_190 = tpu.vector_load_idx %arg9[%add3A_189] : memref<96xf32, #tpu.memory_space<vmem>>[vector<16xi32>], vector<16xf32>,
    %swap3A_191 = arith.constant 32 : index
    %swap3A_192 = tpu.vector_load %arg10[%swap3A_191] {strides = array<i32>} : memref<1152xf32, #tpu.memory_space<vmem>>, vector<16xf32>,
    tpu.vector_store %arg10[%swap3A_191], %gather3A_190 {strides = array<i32>} : memref<1152xf32, #tpu.memory_space<vmem>>, vector<16xf32>,
    %iota3A_193 = tpu.iota {dimensions = array<i32: 0>} : vector<16xi32>
    %add3A_194 = arith.constant 48 : i32
    %add3A_195 = vector.broadcast %add3A_194 : i32 to vector<16xi32>
    %add3A_196 = arith.addi %iota3A_193, %add3A_195 : vector<16xi32>
    %div3A_197 = arith.constant 9 : i32
    %div3A_198 = vector.broadcast %div3A_197 : i32 to vector<16xi32>
    %div3A_199 = arith.divsi %add3A_196, %div3A_198 : vector<16xi32>
    %rem3A_200 = arith.constant 9 : i32
    %rem3A_201 = vector.broadcast %rem3A_200 : i32 to vector<16xi32>
    %rem3A_202 = arith.remsi %add3A_196, %rem3A_201 : vector<16xi32>
    %gather3A_203 = tpu.vector_load_idx %arg6[%div3A_199] : memref<128xi32, #tpu.memory_space<vmem>>[vector<16xi32>], vector<16xi32>,
    %mul3A_204 = arith.constant 9 : i32
    %mul3A_205 = vector.broadcast %mul3A_204 : i32 to vector<16xi32>
    %mul3A_206 = arith.muli %gather3A_203, %mul3A_205 : vector<16xi32>
    %add3A_207 = arith.addi %mul3A_206, %rem3A_202 : vector<16xi32>
    %gather3A_208 = tpu.vector_load_idx %arg9[%add3A_207] : memref<96xf32, #tpu.memory_space<vmem>>[vector<16xi32>], vector<16xf32>,
    %swap3A_209 = arith.constant 48 : index
    %swap3A_210 = tpu.vector_load %arg10[%swap3A_209] {strides = array<i32>} : memref<1152xf32, #tpu.memory_space<vmem>>, vector<16xf32>,
    tpu.vector_store %arg10[%swap3A_209], %gather3A_208 {strides = array<i32>} : memref<1152xf32, #tpu.memory_space<vmem>>, vector<16xf32>,
    %iota3A_211 = tpu.iota {dimensions = array<i32: 0>} : vector<16xi32>
    %add3A_212 = arith.constant 64 : i32
    %add3A_213 = vector.broadcast %add3A_212 : i32 to vector<16xi32>
    %add3A_214 = arith.addi %iota3A_211, %add3A_213 : vector<16xi32>
    %div3A_215 = arith.constant 9 : i32
    %div3A_216 = vector.broadcast %div3A_215 : i32 to vector<16xi32>
    %div3A_217 = arith.divsi %add3A_214, %div3A_216 : vector<16xi32>
    %rem3A_218 = arith.constant 9 : i32
    %rem3A_219 = vector.broadcast %rem3A_218 : i32 to vector<16xi32>
    %rem3A_220 = arith.remsi %add3A_214, %rem3A_219 : vector<16xi32>
    %gather3A_221 = tpu.vector_load_idx %arg6[%div3A_217] : memref<128xi32, #tpu.memory_space<vmem>>[vector<16xi32>], vector<16xi32>,
    %mul3A_222 = arith.constant 9 : i32
    %mul3A_223 = vector.broadcast %mul3A_222 : i32 to vector<16xi32>
    %mul3A_224 = arith.muli %gather3A_221, %mul3A_223 : vector<16xi32>
    %add3A_225 = arith.addi %mul3A_224, %rem3A_220 : vector<16xi32>
    %gather3A_226 = tpu.vector_load_idx %arg9[%add3A_225] : memref<96xf32, #tpu.memory_space<vmem>>[vector<16xi32>], vector<16xf32>,
    %swap3A_227 = arith.constant 64 : index
    %swap3A_228 = tpu.vector_load %arg10[%swap3A_227] {strides = array<i32>} : memref<1152xf32, #tpu.memory_space<vmem>>, vector<16xf32>,
    tpu.vector_store %arg10[%swap3A_227], %gather3A_226 {strides = array<i32>} : memref<1152xf32, #tpu.memory_space<vmem>>, vector<16xf32>,
    %iota3A_229 = tpu.iota {dimensions = array<i32: 0>} : vector<16xi32>
    %add3A_230 = arith.constant 80 : i32
    %add3A_231 = vector.broadcast %add3A_230 : i32 to vector<16xi32>
    %add3A_232 = arith.addi %iota3A_229, %add3A_231 : vector<16xi32>
    %div3A_233 = arith.constant 9 : i32
    %div3A_234 = vector.broadcast %div3A_233 : i32 to vector<16xi32>
    %div3A_235 = arith.divsi %add3A_232, %div3A_234 : vector<16xi32>
    %rem3A_236 = arith.constant 9 : i32
    %rem3A_237 = vector.broadcast %rem3A_236 : i32 to vector<16xi32>
    %rem3A_238 = arith.remsi %add3A_232, %rem3A_237 : vector<16xi32>
    %gather3A_239 = tpu.vector_load_idx %arg6[%div3A_235] : memref<128xi32, #tpu.memory_space<vmem>>[vector<16xi32>], vector<16xi32>,
    %mul3A_240 = arith.constant 9 : i32
    %mul3A_241 = vector.broadcast %mul3A_240 : i32 to vector<16xi32>
    %mul3A_242 = arith.muli %gather3A_239, %mul3A_241 : vector<16xi32>
    %add3A_243 = arith.addi %mul3A_242, %rem3A_238 : vector<16xi32>
    %gather3A_244 = tpu.vector_load_idx %arg9[%add3A_243] : memref<96xf32, #tpu.memory_space<vmem>>[vector<16xi32>], vector<16xf32>,
    %swap3A_245 = arith.constant 80 : index
    %swap3A_246 = tpu.vector_load %arg10[%swap3A_245] {strides = array<i32>} : memref<1152xf32, #tpu.memory_space<vmem>>, vector<16xf32>,
    tpu.vector_store %arg10[%swap3A_245], %gather3A_244 {strides = array<i32>} : memref<1152xf32, #tpu.memory_space<vmem>>, vector<16xf32>,
    %iota3A_247 = tpu.iota {dimensions = array<i32: 0>} : vector<16xi32>
    %add3A_248 = arith.constant 96 : i32
    %add3A_249 = vector.broadcast %add3A_248 : i32 to vector<16xi32>
    %add3A_250 = arith.addi %iota3A_247, %add3A_249 : vector<16xi32>
    %div3A_251 = arith.constant 9 : i32
    %div3A_252 = vector.broadcast %div3A_251 : i32 to vector<16xi32>
    %div3A_253 = arith.divsi %add3A_250, %div3A_252 : vector<16xi32>
    %rem3A_254 = arith.constant 9 : i32
    %rem3A_255 = vector.broadcast %rem3A_254 : i32 to vector<16xi32>
    %rem3A_256 = arith.remsi %add3A_250, %rem3A_255 : vector<16xi32>
    %gather3A_257 = tpu.vector_load_idx %arg6[%div3A_253] : memref<128xi32, #tpu.memory_space<vmem>>[vector<16xi32>], vector<16xi32>,
    %mul3A_258 = arith.constant 9 : i32
    %mul3A_259 = vector.broadcast %mul3A_258 : i32 to vector<16xi32>
    %mul3A_260 = arith.muli %gather3A_257, %mul3A_259 : vector<16xi32>
    %add3A_261 = arith.addi %mul3A_260, %rem3A_256 : vector<16xi32>
    %gather3A_262 = tpu.vector_load_idx %arg9[%add3A_261] : memref<96xf32, #tpu.memory_space<vmem>>[vector<16xi32>], vector<16xf32>,
    %swap3A_263 = arith.constant 96 : index
    %swap3A_264 = tpu.vector_load %arg10[%swap3A_263] {strides = array<i32>} : memref<1152xf32, #tpu.memory_space<vmem>>, vector<16xf32>,
    tpu.vector_store %arg10[%swap3A_263], %gather3A_262 {strides = array<i32>} : memref<1152xf32, #tpu.memory_space<vmem>>, vector<16xf32>,
    %iota3A_265 = tpu.iota {dimensions = array<i32: 0>} : vector<16xi32>
    %add3A_266 = arith.constant 112 : i32
    %add3A_267 = vector.broadcast %add3A_266 : i32 to vector<16xi32>
    %add3A_268 = arith.addi %iota3A_265, %add3A_267 : vector<16xi32>
    %div3A_269 = arith.constant 9 : i32
    %div3A_270 = vector.broadcast %div3A_269 : i32 to vector<16xi32>
    %div3A_271 = arith.divsi %add3A_268, %div3A_270 : vector<16xi32>
    %rem3A_272 = arith.constant 9 : i32
    %rem3A_273 = vector.broadcast %rem3A_272 : i32 to vector<16xi32>
    %rem3A_274 = arith.remsi %add3A_268, %rem3A_273 : vector<16xi32>
    %gather3A_275 = tpu.vector_load_idx %arg6[%div3A_271] : memref<128xi32, #tpu.memory_space<vmem>>[vector<16xi32>], vector<16xi32>,
    %mul3A_276 = arith.constant 9 : i32
    %mul3A_277 = vector.broadcast %mul3A_276 : i32 to vector<16xi32>
    %mul3A_278 = arith.muli %gather3A_275, %mul3A_277 : vector<16xi32>
    %add3A_279 = arith.addi %mul3A_278, %rem3A_274 : vector<16xi32>
    %gather3A_280 = tpu.vector_load_idx %arg9[%add3A_279] : memref<96xf32, #tpu.memory_space<vmem>>[vector<16xi32>], vector<16xf32>,
    %swap3A_281 = arith.constant 112 : index
    %swap3A_282 = tpu.vector_load %arg10[%swap3A_281] {strides = array<i32>} : memref<1152xf32, #tpu.memory_space<vmem>>, vector<16xf32>,
    tpu.vector_store %arg10[%swap3A_281], %gather3A_280 {strides = array<i32>} : memref<1152xf32, #tpu.memory_space<vmem>>, vector<16xf32>,
    %iota3A_283 = tpu.iota {dimensions = array<i32: 0>} : vector<16xi32>
    %add3A_284 = arith.constant 128 : i32
    %add3A_285 = vector.broadcast %add3A_284 : i32 to vector<16xi32>
    %add3A_286 = arith.addi %iota3A_283, %add3A_285 : vector<16xi32>
    %div3A_287 = arith.constant 9 : i32
    %div3A_288 = vector.broadcast %div3A_287 : i32 to vector<16xi32>
    %div3A_289 = arith.divsi %add3A_286, %div3A_288 : vector<16xi32>
    %rem3A_290 = arith.constant 9 : i32
    %rem3A_291 = vector.broadcast %rem3A_290 : i32 to vector<16xi32>
    %rem3A_292 = arith.remsi %add3A_286, %rem3A_291 : vector<16xi32>
    %gather3A_293 = tpu.vector_load_idx %arg6[%div3A_289] : memref<128xi32, #tpu.memory_space<vmem>>[vector<16xi32>], vector<16xi32>,
    %mul3A_294 = arith.constant 9 : i32
    %mul3A_295 = vector.broadcast %mul3A_294 : i32 to vector<16xi32>
    %mul3A_296 = arith.muli %gather3A_293, %mul3A_295 : vector<16xi32>
    %add3A_297 = arith.addi %mul3A_296, %rem3A_292 : vector<16xi32>
    %gather3A_298 = tpu.vector_load_idx %arg9[%add3A_297] : memref<96xf32, #tpu.memory_space<vmem>>[vector<16xi32>], vector<16xf32>,
    %swap3A_299 = arith.constant 128 : index
    %swap3A_300 = tpu.vector_load %arg10[%swap3A_299] {strides = array<i32>} : memref<1152xf32, #tpu.memory_space<vmem>>, vector<16xf32>,
    tpu.vector_store %arg10[%swap3A_299], %gather3A_298 {strides = array<i32>} : memref<1152xf32, #tpu.memory_space<vmem>>, vector<16xf32>,
    %iota3A_301 = tpu.iota {dimensions = array<i32: 0>} : vector<16xi32>
    %add3A_302 = arith.constant 144 : i32
    %add3A_303 = vector.broadcast %add3A_302 : i32 to vector<16xi32>
    %add3A_304 = arith.addi %iota3A_301, %add3A_303 : vector<16xi32>
    %div3A_305 = arith.constant 9 : i32
    %div3A_306 = vector.broadcast %div3A_305 : i32 to vector<16xi32>
    %div3A_307 = arith.divsi %add3A_304, %div3A_306 : vector<16xi32>
    %rem3A_308 = arith.constant 9 : i32
    %rem3A_309 = vector.broadcast %rem3A_308 : i32 to vector<16xi32>
    %rem3A_310 = arith.remsi %add3A_304, %rem3A_309 : vector<16xi32>
    %gather3A_311 = tpu.vector_load_idx %arg6[%div3A_307] : memref<128xi32, #tpu.memory_space<vmem>>[vector<16xi32>], vector<16xi32>,
    %mul3A_312 = arith.constant 9 : i32
    %mul3A_313 = vector.broadcast %mul3A_312 : i32 to vector<16xi32>
    %mul3A_314 = arith.muli %gather3A_311, %mul3A_313 : vector<16xi32>
    %add3A_315 = arith.addi %mul3A_314, %rem3A_310 : vector<16xi32>
    %gather3A_316 = tpu.vector_load_idx %arg9[%add3A_315] : memref<96xf32, #tpu.memory_space<vmem>>[vector<16xi32>], vector<16xf32>,
    %swap3A_317 = arith.constant 144 : index
    %swap3A_318 = tpu.vector_load %arg10[%swap3A_317] {strides = array<i32>} : memref<1152xf32, #tpu.memory_space<vmem>>, vector<16xf32>,
    tpu.vector_store %arg10[%swap3A_317], %gather3A_316 {strides = array<i32>} : memref<1152xf32, #tpu.memory_space<vmem>>, vector<16xf32>,
    %iota3A_319 = tpu.iota {dimensions = array<i32: 0>} : vector<16xi32>
    %add3A_320 = arith.constant 160 : i32
    %add3A_321 = vector.broadcast %add3A_320 : i32 to vector<16xi32>
    %add3A_322 = arith.addi %iota3A_319, %add3A_321 : vector<16xi32>
    %div3A_323 = arith.constant 9 : i32
    %div3A_324 = vector.broadcast %div3A_323 : i32 to vector<16xi32>
    %div3A_325 = arith.divsi %add3A_322, %div3A_324 : vector<16xi32>
    %rem3A_326 = arith.constant 9 : i32
    %rem3A_327 = vector.broadcast %rem3A_326 : i32 to vector<16xi32>
    %rem3A_328 = arith.remsi %add3A_322, %rem3A_327 : vector<16xi32>
    %gather3A_329 = tpu.vector_load_idx %arg6[%div3A_325] : memref<128xi32, #tpu.memory_space<vmem>>[vector<16xi32>], vector<16xi32>,
    %mul3A_330 = arith.constant 9 : i32
    %mul3A_331 = vector.broadcast %mul3A_330 : i32 to vector<16xi32>
    %mul3A_332 = arith.muli %gather3A_329, %mul3A_331 : vector<16xi32>
    %add3A_333 = arith.addi %mul3A_332, %rem3A_328 : vector<16xi32>
    %gather3A_334 = tpu.vector_load_idx %arg9[%add3A_333] : memref<96xf32, #tpu.memory_space<vmem>>[vector<16xi32>], vector<16xf32>,
    %swap3A_335 = arith.constant 160 : index
    %swap3A_336 = tpu.vector_load %arg10[%swap3A_335] {strides = array<i32>} : memref<1152xf32, #tpu.memory_space<vmem>>, vector<16xf32>,
    tpu.vector_store %arg10[%swap3A_335], %gather3A_334 {strides = array<i32>} : memref<1152xf32, #tpu.memory_space<vmem>>, vector<16xf32>,
    %iota3A_337 = tpu.iota {dimensions = array<i32: 0>} : vector<16xi32>
    %add3A_338 = arith.constant 176 : i32
    %add3A_339 = vector.broadcast %add3A_338 : i32 to vector<16xi32>
    %add3A_340 = arith.addi %iota3A_337, %add3A_339 : vector<16xi32>
    %div3A_341 = arith.constant 9 : i32
    %div3A_342 = vector.broadcast %div3A_341 : i32 to vector<16xi32>
    %div3A_343 = arith.divsi %add3A_340, %div3A_342 : vector<16xi32>
    %rem3A_344 = arith.constant 9 : i32
    %rem3A_345 = vector.broadcast %rem3A_344 : i32 to vector<16xi32>
    %rem3A_346 = arith.remsi %add3A_340, %rem3A_345 : vector<16xi32>
    %gather3A_347 = tpu.vector_load_idx %arg6[%div3A_343] : memref<128xi32, #tpu.memory_space<vmem>>[vector<16xi32>], vector<16xi32>,
    %mul3A_348 = arith.constant 9 : i32
    %mul3A_349 = vector.broadcast %mul3A_348 : i32 to vector<16xi32>
    %mul3A_350 = arith.muli %gather3A_347, %mul3A_349 : vector<16xi32>
    %add3A_351 = arith.addi %mul3A_350, %rem3A_346 : vector<16xi32>
    %gather3A_352 = tpu.vector_load_idx %arg9[%add3A_351] : memref<96xf32, #tpu.memory_space<vmem>>[vector<16xi32>], vector<16xf32>,
    %swap3A_353 = arith.constant 176 : index
    %swap3A_354 = tpu.vector_load %arg10[%swap3A_353] {strides = array<i32>} : memref<1152xf32, #tpu.memory_space<vmem>>, vector<16xf32>,
    tpu.vector_store %arg10[%swap3A_353], %gather3A_352 {strides = array<i32>} : memref<1152xf32, #tpu.memory_space<vmem>>, vector<16xf32>,
    %iota3A_355 = tpu.iota {dimensions = array<i32: 0>} : vector<16xi32>
    %add3A_356 = arith.constant 192 : i32
    %add3A_357 = vector.broadcast %add3A_356 : i32 to vector<16xi32>
    %add3A_358 = arith.addi %iota3A_355, %add3A_357 : vector<16xi32>
    %div3A_359 = arith.constant 9 : i32
    %div3A_360 = vector.broadcast %div3A_359 : i32 to vector<16xi32>
    %div3A_361 = arith.divsi %add3A_358, %div3A_360 : vector<16xi32>
    %rem3A_362 = arith.constant 9 : i32
    %rem3A_363 = vector.broadcast %rem3A_362 : i32 to vector<16xi32>
    %rem3A_364 = arith.remsi %add3A_358, %rem3A_363 : vector<16xi32>
    %gather3A_365 = tpu.vector_load_idx %arg6[%div3A_361] : memref<128xi32, #tpu.memory_space<vmem>>[vector<16xi32>], vector<16xi32>,
    %mul3A_366 = arith.constant 9 : i32
    %mul3A_367 = vector.broadcast %mul3A_366 : i32 to vector<16xi32>
    %mul3A_368 = arith.muli %gather3A_365, %mul3A_367 : vector<16xi32>
    %add3A_369 = arith.addi %mul3A_368, %rem3A_364 : vector<16xi32>
    %gather3A_370 = tpu.vector_load_idx %arg9[%add3A_369] : memref<96xf32, #tpu.memory_space<vmem>>[vector<16xi32>], vector<16xf32>,
    %swap3A_371 = arith.constant 192 : index
    %swap3A_372 = tpu.vector_load %arg10[%swap3A_371] {strides = array<i32>} : memref<1152xf32, #tpu.memory_space<vmem>>, vector<16xf32>,
    tpu.vector_store %arg10[%swap3A_371], %gather3A_370 {strides = array<i32>} : memref<1152xf32, #tpu.memory_space<vmem>>, vector<16xf32>,
    %iota3A_373 = tpu.iota {dimensions = array<i32: 0>} : vector<16xi32>
    %add3A_374 = arith.constant 208 : i32
    %add3A_375 = vector.broadcast %add3A_374 : i32 to vector<16xi32>
    %add3A_376 = arith.addi %iota3A_373, %add3A_375 : vector<16xi32>
    %div3A_377 = arith.constant 9 : i32
    %div3A_378 = vector.broadcast %div3A_377 : i32 to vector<16xi32>
    %div3A_379 = arith.divsi %add3A_376, %div3A_378 : vector<16xi32>
    %rem3A_380 = arith.constant 9 : i32
    %rem3A_381 = vector.broadcast %rem3A_380 : i32 to vector<16xi32>
    %rem3A_382 = arith.remsi %add3A_376, %rem3A_381 : vector<16xi32>
    %gather3A_383 = tpu.vector_load_idx %arg6[%div3A_379] : memref<128xi32, #tpu.memory_space<vmem>>[vector<16xi32>], vector<16xi32>,
    %mul3A_384 = arith.constant 9 : i32
    %mul3A_385 = vector.broadcast %mul3A_384 : i32 to vector<16xi32>
    %mul3A_386 = arith.muli %gather3A_383, %mul3A_385 : vector<16xi32>
    %add3A_387 = arith.addi %mul3A_386, %rem3A_382 : vector<16xi32>
    %gather3A_388 = tpu.vector_load_idx %arg9[%add3A_387] : memref<96xf32, #tpu.memory_space<vmem>>[vector<16xi32>], vector<16xf32>,
    %swap3A_389 = arith.constant 208 : index
    %swap3A_390 = tpu.vector_load %arg10[%swap3A_389] {strides = array<i32>} : memref<1152xf32, #tpu.memory_space<vmem>>, vector<16xf32>,
    tpu.vector_store %arg10[%swap3A_389], %gather3A_388 {strides = array<i32>} : memref<1152xf32, #tpu.memory_space<vmem>>, vector<16xf32>,
    %iota3A_391 = tpu.iota {dimensions = array<i32: 0>} : vector<16xi32>
    %add3A_392 = arith.constant 224 : i32
    %add3A_393 = vector.broadcast %add3A_392 : i32 to vector<16xi32>
    %add3A_394 = arith.addi %iota3A_391, %add3A_393 : vector<16xi32>
    %div3A_395 = arith.constant 9 : i32
    %div3A_396 = vector.broadcast %div3A_395 : i32 to vector<16xi32>
    %div3A_397 = arith.divsi %add3A_394, %div3A_396 : vector<16xi32>
    %rem3A_398 = arith.constant 9 : i32
    %rem3A_399 = vector.broadcast %rem3A_398 : i32 to vector<16xi32>
    %rem3A_400 = arith.remsi %add3A_394, %rem3A_399 : vector<16xi32>
    %gather3A_401 = tpu.vector_load_idx %arg6[%div3A_397] : memref<128xi32, #tpu.memory_space<vmem>>[vector<16xi32>], vector<16xi32>,
    %mul3A_402 = arith.constant 9 : i32
    %mul3A_403 = vector.broadcast %mul3A_402 : i32 to vector<16xi32>
    %mul3A_404 = arith.muli %gather3A_401, %mul3A_403 : vector<16xi32>
    %add3A_405 = arith.addi %mul3A_404, %rem3A_400 : vector<16xi32>
    %gather3A_406 = tpu.vector_load_idx %arg9[%add3A_405] : memref<96xf32, #tpu.memory_space<vmem>>[vector<16xi32>], vector<16xf32>,
    %swap3A_407 = arith.constant 224 : index
    %swap3A_408 = tpu.vector_load %arg10[%swap3A_407] {strides = array<i32>} : memref<1152xf32, #tpu.memory_space<vmem>>, vector<16xf32>,
    tpu.vector_store %arg10[%swap3A_407], %gather3A_406 {strides = array<i32>} : memref<1152xf32, #tpu.memory_space<vmem>>, vector<16xf32>,
    %iota3A_409 = tpu.iota {dimensions = array<i32: 0>} : vector<16xi32>
    %add3A_410 = arith.constant 240 : i32
    %add3A_411 = vector.broadcast %add3A_410 : i32 to vector<16xi32>
    %add3A_412 = arith.addi %iota3A_409, %add3A_411 : vector<16xi32>
    %div3A_413 = arith.constant 9 : i32
    %div3A_414 = vector.broadcast %div3A_413 : i32 to vector<16xi32>
    %div3A_415 = arith.divsi %add3A_412, %div3A_414 : vector<16xi32>
    %rem3A_416 = arith.constant 9 : i32
    %rem3A_417 = vector.broadcast %rem3A_416 : i32 to vector<16xi32>
    %rem3A_418 = arith.remsi %add3A_412, %rem3A_417 : vector<16xi32>
    %gather3A_419 = tpu.vector_load_idx %arg6[%div3A_415] : memref<128xi32, #tpu.memory_space<vmem>>[vector<16xi32>], vector<16xi32>,
    %mul3A_420 = arith.constant 9 : i32
    %mul3A_421 = vector.broadcast %mul3A_420 : i32 to vector<16xi32>
    %mul3A_422 = arith.muli %gather3A_419, %mul3A_421 : vector<16xi32>
    %add3A_423 = arith.addi %mul3A_422, %rem3A_418 : vector<16xi32>
    %gather3A_424 = tpu.vector_load_idx %arg9[%add3A_423] : memref<96xf32, #tpu.memory_space<vmem>>[vector<16xi32>], vector<16xf32>,
    %swap3A_425 = arith.constant 240 : index
    %swap3A_426 = tpu.vector_load %arg10[%swap3A_425] {strides = array<i32>} : memref<1152xf32, #tpu.memory_space<vmem>>, vector<16xf32>,
    tpu.vector_store %arg10[%swap3A_425], %gather3A_424 {strides = array<i32>} : memref<1152xf32, #tpu.memory_space<vmem>>, vector<16xf32>,
    %iota3A_427 = tpu.iota {dimensions = array<i32: 0>} : vector<16xi32>
    %add3A_428 = arith.constant 256 : i32
    %add3A_429 = vector.broadcast %add3A_428 : i32 to vector<16xi32>
    %add3A_430 = arith.addi %iota3A_427, %add3A_429 : vector<16xi32>
    %div3A_431 = arith.constant 9 : i32
    %div3A_432 = vector.broadcast %div3A_431 : i32 to vector<16xi32>
    %div3A_433 = arith.divsi %add3A_430, %div3A_432 : vector<16xi32>
    %rem3A_434 = arith.constant 9 : i32
    %rem3A_435 = vector.broadcast %rem3A_434 : i32 to vector<16xi32>
    %rem3A_436 = arith.remsi %add3A_430, %rem3A_435 : vector<16xi32>
    %gather3A_437 = tpu.vector_load_idx %arg6[%div3A_433] : memref<128xi32, #tpu.memory_space<vmem>>[vector<16xi32>], vector<16xi32>,
    %mul3A_438 = arith.constant 9 : i32
    %mul3A_439 = vector.broadcast %mul3A_438 : i32 to vector<16xi32>
    %mul3A_440 = arith.muli %gather3A_437, %mul3A_439 : vector<16xi32>
    %add3A_441 = arith.addi %mul3A_440, %rem3A_436 : vector<16xi32>
    %gather3A_442 = tpu.vector_load_idx %arg9[%add3A_441] : memref<96xf32, #tpu.memory_space<vmem>>[vector<16xi32>], vector<16xf32>,
    %swap3A_443 = arith.constant 256 : index
    %swap3A_444 = tpu.vector_load %arg10[%swap3A_443] {strides = array<i32>} : memref<1152xf32, #tpu.memory_space<vmem>>, vector<16xf32>,
    tpu.vector_store %arg10[%swap3A_443], %gather3A_442 {strides = array<i32>} : memref<1152xf32, #tpu.memory_space<vmem>>, vector<16xf32>,
    %iota3A_445 = tpu.iota {dimensions = array<i32: 0>} : vector<16xi32>
    %add3A_446 = arith.constant 272 : i32
    %add3A_447 = vector.broadcast %add3A_446 : i32 to vector<16xi32>
    %add3A_448 = arith.addi %iota3A_445, %add3A_447 : vector<16xi32>
    %div3A_449 = arith.constant 9 : i32
    %div3A_450 = vector.broadcast %div3A_449 : i32 to vector<16xi32>
    %div3A_451 = arith.divsi %add3A_448, %div3A_450 : vector<16xi32>
    %rem3A_452 = arith.constant 9 : i32
    %rem3A_453 = vector.broadcast %rem3A_452 : i32 to vector<16xi32>
    %rem3A_454 = arith.remsi %add3A_448, %rem3A_453 : vector<16xi32>
    %gather3A_455 = tpu.vector_load_idx %arg6[%div3A_451] : memref<128xi32, #tpu.memory_space<vmem>>[vector<16xi32>], vector<16xi32>,
    %mul3A_456 = arith.constant 9 : i32
    %mul3A_457 = vector.broadcast %mul3A_456 : i32 to vector<16xi32>
    %mul3A_458 = arith.muli %gather3A_455, %mul3A_457 : vector<16xi32>
    %add3A_459 = arith.addi %mul3A_458, %rem3A_454 : vector<16xi32>
    %gather3A_460 = tpu.vector_load_idx %arg9[%add3A_459] : memref<96xf32, #tpu.memory_space<vmem>>[vector<16xi32>], vector<16xf32>,
    %swap3A_461 = arith.constant 272 : index
    %swap3A_462 = tpu.vector_load %arg10[%swap3A_461] {strides = array<i32>} : memref<1152xf32, #tpu.memory_space<vmem>>, vector<16xf32>,
    tpu.vector_store %arg10[%swap3A_461], %gather3A_460 {strides = array<i32>} : memref<1152xf32, #tpu.memory_space<vmem>>, vector<16xf32>,
    %iota3A_463 = tpu.iota {dimensions = array<i32: 0>} : vector<16xi32>
    %add3A_464 = arith.constant 288 : i32
    %add3A_465 = vector.broadcast %add3A_464 : i32 to vector<16xi32>
    %add3A_466 = arith.addi %iota3A_463, %add3A_465 : vector<16xi32>
    %div3A_467 = arith.constant 9 : i32
    %div3A_468 = vector.broadcast %div3A_467 : i32 to vector<16xi32>
    %div3A_469 = arith.divsi %add3A_466, %div3A_468 : vector<16xi32>
    %rem3A_470 = arith.constant 9 : i32
    %rem3A_471 = vector.broadcast %rem3A_470 : i32 to vector<16xi32>
    %rem3A_472 = arith.remsi %add3A_466, %rem3A_471 : vector<16xi32>
    %gather3A_473 = tpu.vector_load_idx %arg6[%div3A_469] : memref<128xi32, #tpu.memory_space<vmem>>[vector<16xi32>], vector<16xi32>,
    %mul3A_474 = arith.constant 9 : i32
    %mul3A_475 = vector.broadcast %mul3A_474 : i32 to vector<16xi32>
    %mul3A_476 = arith.muli %gather3A_473, %mul3A_475 : vector<16xi32>
    %add3A_477 = arith.addi %mul3A_476, %rem3A_472 : vector<16xi32>
    %gather3A_478 = tpu.vector_load_idx %arg9[%add3A_477] : memref<96xf32, #tpu.memory_space<vmem>>[vector<16xi32>], vector<16xf32>,
    %swap3A_479 = arith.constant 288 : index
    %swap3A_480 = tpu.vector_load %arg10[%swap3A_479] {strides = array<i32>} : memref<1152xf32, #tpu.memory_space<vmem>>, vector<16xf32>,
    tpu.vector_store %arg10[%swap3A_479], %gather3A_478 {strides = array<i32>} : memref<1152xf32, #tpu.memory_space<vmem>>, vector<16xf32>,
    %iota3A_481 = tpu.iota {dimensions = array<i32: 0>} : vector<16xi32>
    %add3A_482 = arith.constant 304 : i32
    %add3A_483 = vector.broadcast %add3A_482 : i32 to vector<16xi32>
    %add3A_484 = arith.addi %iota3A_481, %add3A_483 : vector<16xi32>
    %div3A_485 = arith.constant 9 : i32
    %div3A_486 = vector.broadcast %div3A_485 : i32 to vector<16xi32>
    %div3A_487 = arith.divsi %add3A_484, %div3A_486 : vector<16xi32>
    %rem3A_488 = arith.constant 9 : i32
    %rem3A_489 = vector.broadcast %rem3A_488 : i32 to vector<16xi32>
    %rem3A_490 = arith.remsi %add3A_484, %rem3A_489 : vector<16xi32>
    %gather3A_491 = tpu.vector_load_idx %arg6[%div3A_487] : memref<128xi32, #tpu.memory_space<vmem>>[vector<16xi32>], vector<16xi32>,
    %mul3A_492 = arith.constant 9 : i32
    %mul3A_493 = vector.broadcast %mul3A_492 : i32 to vector<16xi32>
    %mul3A_494 = arith.muli %gather3A_491, %mul3A_493 : vector<16xi32>
    %add3A_495 = arith.addi %mul3A_494, %rem3A_490 : vector<16xi32>
    %gather3A_496 = tpu.vector_load_idx %arg9[%add3A_495] : memref<96xf32, #tpu.memory_space<vmem>>[vector<16xi32>], vector<16xf32>,
    %swap3A_497 = arith.constant 304 : index
    %swap3A_498 = tpu.vector_load %arg10[%swap3A_497] {strides = array<i32>} : memref<1152xf32, #tpu.memory_space<vmem>>, vector<16xf32>,
    tpu.vector_store %arg10[%swap3A_497], %gather3A_496 {strides = array<i32>} : memref<1152xf32, #tpu.memory_space<vmem>>, vector<16xf32>,
    %iota3A_499 = tpu.iota {dimensions = array<i32: 0>} : vector<16xi32>
    %add3A_500 = arith.constant 320 : i32
    %add3A_501 = vector.broadcast %add3A_500 : i32 to vector<16xi32>
    %add3A_502 = arith.addi %iota3A_499, %add3A_501 : vector<16xi32>
    %div3A_503 = arith.constant 9 : i32
    %div3A_504 = vector.broadcast %div3A_503 : i32 to vector<16xi32>
    %div3A_505 = arith.divsi %add3A_502, %div3A_504 : vector<16xi32>
    %rem3A_506 = arith.constant 9 : i32
    %rem3A_507 = vector.broadcast %rem3A_506 : i32 to vector<16xi32>
    %rem3A_508 = arith.remsi %add3A_502, %rem3A_507 : vector<16xi32>
    %gather3A_509 = tpu.vector_load_idx %arg6[%div3A_505] : memref<128xi32, #tpu.memory_space<vmem>>[vector<16xi32>], vector<16xi32>,
    %mul3A_510 = arith.constant 9 : i32
    %mul3A_511 = vector.broadcast %mul3A_510 : i32 to vector<16xi32>
    %mul3A_512 = arith.muli %gather3A_509, %mul3A_511 : vector<16xi32>
    %add3A_513 = arith.addi %mul3A_512, %rem3A_508 : vector<16xi32>
    %gather3A_514 = tpu.vector_load_idx %arg9[%add3A_513] : memref<96xf32, #tpu.memory_space<vmem>>[vector<16xi32>], vector<16xf32>,
    %swap3A_515 = arith.constant 320 : index
    %swap3A_516 = tpu.vector_load %arg10[%swap3A_515] {strides = array<i32>} : memref<1152xf32, #tpu.memory_space<vmem>>, vector<16xf32>,
    tpu.vector_store %arg10[%swap3A_515], %gather3A_514 {strides = array<i32>} : memref<1152xf32, #tpu.memory_space<vmem>>, vector<16xf32>,
    %iota3A_517 = tpu.iota {dimensions = array<i32: 0>} : vector<16xi32>
    %add3A_518 = arith.constant 336 : i32
    %add3A_519 = vector.broadcast %add3A_518 : i32 to vector<16xi32>
    %add3A_520 = arith.addi %iota3A_517, %add3A_519 : vector<16xi32>
    %div3A_521 = arith.constant 9 : i32
    %div3A_522 = vector.broadcast %div3A_521 : i32 to vector<16xi32>
    %div3A_523 = arith.divsi %add3A_520, %div3A_522 : vector<16xi32>
    %rem3A_524 = arith.constant 9 : i32
    %rem3A_525 = vector.broadcast %rem3A_524 : i32 to vector<16xi32>
    %rem3A_526 = arith.remsi %add3A_520, %rem3A_525 : vector<16xi32>
    %gather3A_527 = tpu.vector_load_idx %arg6[%div3A_523] : memref<128xi32, #tpu.memory_space<vmem>>[vector<16xi32>], vector<16xi32>,
    %mul3A_528 = arith.constant 9 : i32
    %mul3A_529 = vector.broadcast %mul3A_528 : i32 to vector<16xi32>
    %mul3A_530 = arith.muli %gather3A_527, %mul3A_529 : vector<16xi32>
    %add3A_531 = arith.addi %mul3A_530, %rem3A_526 : vector<16xi32>
    %gather3A_532 = tpu.vector_load_idx %arg9[%add3A_531] : memref<96xf32, #tpu.memory_space<vmem>>[vector<16xi32>], vector<16xf32>,
    %swap3A_533 = arith.constant 336 : index
    %swap3A_534 = tpu.vector_load %arg10[%swap3A_533] {strides = array<i32>} : memref<1152xf32, #tpu.memory_space<vmem>>, vector<16xf32>,
    tpu.vector_store %arg10[%swap3A_533], %gather3A_532 {strides = array<i32>} : memref<1152xf32, #tpu.memory_space<vmem>>, vector<16xf32>,
    %iota3A_535 = tpu.iota {dimensions = array<i32: 0>} : vector<16xi32>
    %add3A_536 = arith.constant 352 : i32
    %add3A_537 = vector.broadcast %add3A_536 : i32 to vector<16xi32>
    %add3A_538 = arith.addi %iota3A_535, %add3A_537 : vector<16xi32>
    %div3A_539 = arith.constant 9 : i32
    %div3A_540 = vector.broadcast %div3A_539 : i32 to vector<16xi32>
    %div3A_541 = arith.divsi %add3A_538, %div3A_540 : vector<16xi32>
    %rem3A_542 = arith.constant 9 : i32
    %rem3A_543 = vector.broadcast %rem3A_542 : i32 to vector<16xi32>
    %rem3A_544 = arith.remsi %add3A_538, %rem3A_543 : vector<16xi32>
    %gather3A_545 = tpu.vector_load_idx %arg6[%div3A_541] : memref<128xi32, #tpu.memory_space<vmem>>[vector<16xi32>], vector<16xi32>,
    %mul3A_546 = arith.constant 9 : i32
    %mul3A_547 = vector.broadcast %mul3A_546 : i32 to vector<16xi32>
    %mul3A_548 = arith.muli %gather3A_545, %mul3A_547 : vector<16xi32>
    %add3A_549 = arith.addi %mul3A_548, %rem3A_544 : vector<16xi32>
    %gather3A_550 = tpu.vector_load_idx %arg9[%add3A_549] : memref<96xf32, #tpu.memory_space<vmem>>[vector<16xi32>], vector<16xf32>,
    %swap3A_551 = arith.constant 352 : index
    %swap3A_552 = tpu.vector_load %arg10[%swap3A_551] {strides = array<i32>} : memref<1152xf32, #tpu.memory_space<vmem>>, vector<16xf32>,
    tpu.vector_store %arg10[%swap3A_551], %gather3A_550 {strides = array<i32>} : memref<1152xf32, #tpu.memory_space<vmem>>, vector<16xf32>,
    %iota3A_553 = tpu.iota {dimensions = array<i32: 0>} : vector<16xi32>
    %add3A_554 = arith.constant 368 : i32
    %add3A_555 = vector.broadcast %add3A_554 : i32 to vector<16xi32>
    %add3A_556 = arith.addi %iota3A_553, %add3A_555 : vector<16xi32>
    %div3A_557 = arith.constant 9 : i32
    %div3A_558 = vector.broadcast %div3A_557 : i32 to vector<16xi32>
    %div3A_559 = arith.divsi %add3A_556, %div3A_558 : vector<16xi32>
    %rem3A_560 = arith.constant 9 : i32
    %rem3A_561 = vector.broadcast %rem3A_560 : i32 to vector<16xi32>
    %rem3A_562 = arith.remsi %add3A_556, %rem3A_561 : vector<16xi32>
    %gather3A_563 = tpu.vector_load_idx %arg6[%div3A_559] : memref<128xi32, #tpu.memory_space<vmem>>[vector<16xi32>], vector<16xi32>,
    %mul3A_564 = arith.constant 9 : i32
    %mul3A_565 = vector.broadcast %mul3A_564 : i32 to vector<16xi32>
    %mul3A_566 = arith.muli %gather3A_563, %mul3A_565 : vector<16xi32>
    %add3A_567 = arith.addi %mul3A_566, %rem3A_562 : vector<16xi32>
    %gather3A_568 = tpu.vector_load_idx %arg9[%add3A_567] : memref<96xf32, #tpu.memory_space<vmem>>[vector<16xi32>], vector<16xf32>,
    %swap3A_569 = arith.constant 368 : index
    %swap3A_570 = tpu.vector_load %arg10[%swap3A_569] {strides = array<i32>} : memref<1152xf32, #tpu.memory_space<vmem>>, vector<16xf32>,
    tpu.vector_store %arg10[%swap3A_569], %gather3A_568 {strides = array<i32>} : memref<1152xf32, #tpu.memory_space<vmem>>, vector<16xf32>,
    %iota3A_571 = tpu.iota {dimensions = array<i32: 0>} : vector<16xi32>
    %add3A_572 = arith.constant 384 : i32
    %add3A_573 = vector.broadcast %add3A_572 : i32 to vector<16xi32>
    %add3A_574 = arith.addi %iota3A_571, %add3A_573 : vector<16xi32>
    %div3A_575 = arith.constant 9 : i32
    %div3A_576 = vector.broadcast %div3A_575 : i32 to vector<16xi32>
    %div3A_577 = arith.divsi %add3A_574, %div3A_576 : vector<16xi32>
    %rem3A_578 = arith.constant 9 : i32
    %rem3A_579 = vector.broadcast %rem3A_578 : i32 to vector<16xi32>
    %rem3A_580 = arith.remsi %add3A_574, %rem3A_579 : vector<16xi32>
    %gather3A_581 = tpu.vector_load_idx %arg6[%div3A_577] : memref<128xi32, #tpu.memory_space<vmem>>[vector<16xi32>], vector<16xi32>,
    %mul3A_582 = arith.constant 9 : i32
    %mul3A_583 = vector.broadcast %mul3A_582 : i32 to vector<16xi32>
    %mul3A_584 = arith.muli %gather3A_581, %mul3A_583 : vector<16xi32>
    %add3A_585 = arith.addi %mul3A_584, %rem3A_580 : vector<16xi32>
    %gather3A_586 = tpu.vector_load_idx %arg9[%add3A_585] : memref<96xf32, #tpu.memory_space<vmem>>[vector<16xi32>], vector<16xf32>,
    %swap3A_587 = arith.constant 384 : index
    %swap3A_588 = tpu.vector_load %arg10[%swap3A_587] {strides = array<i32>} : memref<1152xf32, #tpu.memory_space<vmem>>, vector<16xf32>,
    tpu.vector_store %arg10[%swap3A_587], %gather3A_586 {strides = array<i32>} : memref<1152xf32, #tpu.memory_space<vmem>>, vector<16xf32>,
    %iota3A_589 = tpu.iota {dimensions = array<i32: 0>} : vector<16xi32>
    %add3A_590 = arith.constant 400 : i32
    %add3A_591 = vector.broadcast %add3A_590 : i32 to vector<16xi32>
    %add3A_592 = arith.addi %iota3A_589, %add3A_591 : vector<16xi32>
    %div3A_593 = arith.constant 9 : i32
    %div3A_594 = vector.broadcast %div3A_593 : i32 to vector<16xi32>
    %div3A_595 = arith.divsi %add3A_592, %div3A_594 : vector<16xi32>
    %rem3A_596 = arith.constant 9 : i32
    %rem3A_597 = vector.broadcast %rem3A_596 : i32 to vector<16xi32>
    %rem3A_598 = arith.remsi %add3A_592, %rem3A_597 : vector<16xi32>
    %gather3A_599 = tpu.vector_load_idx %arg6[%div3A_595] : memref<128xi32, #tpu.memory_space<vmem>>[vector<16xi32>], vector<16xi32>,
    %mul3A_600 = arith.constant 9 : i32
    %mul3A_601 = vector.broadcast %mul3A_600 : i32 to vector<16xi32>
    %mul3A_602 = arith.muli %gather3A_599, %mul3A_601 : vector<16xi32>
    %add3A_603 = arith.addi %mul3A_602, %rem3A_598 : vector<16xi32>
    %gather3A_604 = tpu.vector_load_idx %arg9[%add3A_603] : memref<96xf32, #tpu.memory_space<vmem>>[vector<16xi32>], vector<16xf32>,
    %swap3A_605 = arith.constant 400 : index
    %swap3A_606 = tpu.vector_load %arg10[%swap3A_605] {strides = array<i32>} : memref<1152xf32, #tpu.memory_space<vmem>>, vector<16xf32>,
    tpu.vector_store %arg10[%swap3A_605], %gather3A_604 {strides = array<i32>} : memref<1152xf32, #tpu.memory_space<vmem>>, vector<16xf32>,
    %iota3A_607 = tpu.iota {dimensions = array<i32: 0>} : vector<16xi32>
    %add3A_608 = arith.constant 416 : i32
    %add3A_609 = vector.broadcast %add3A_608 : i32 to vector<16xi32>
    %add3A_610 = arith.addi %iota3A_607, %add3A_609 : vector<16xi32>
    %div3A_611 = arith.constant 9 : i32
    %div3A_612 = vector.broadcast %div3A_611 : i32 to vector<16xi32>
    %div3A_613 = arith.divsi %add3A_610, %div3A_612 : vector<16xi32>
    %rem3A_614 = arith.constant 9 : i32
    %rem3A_615 = vector.broadcast %rem3A_614 : i32 to vector<16xi32>
    %rem3A_616 = arith.remsi %add3A_610, %rem3A_615 : vector<16xi32>
    %gather3A_617 = tpu.vector_load_idx %arg6[%div3A_613] : memref<128xi32, #tpu.memory_space<vmem>>[vector<16xi32>], vector<16xi32>,
    %mul3A_618 = arith.constant 9 : i32
    %mul3A_619 = vector.broadcast %mul3A_618 : i32 to vector<16xi32>
    %mul3A_620 = arith.muli %gather3A_617, %mul3A_619 : vector<16xi32>
    %add3A_621 = arith.addi %mul3A_620, %rem3A_616 : vector<16xi32>
    %gather3A_622 = tpu.vector_load_idx %arg9[%add3A_621] : memref<96xf32, #tpu.memory_space<vmem>>[vector<16xi32>], vector<16xf32>,
    %swap3A_623 = arith.constant 416 : index
    %swap3A_624 = tpu.vector_load %arg10[%swap3A_623] {strides = array<i32>} : memref<1152xf32, #tpu.memory_space<vmem>>, vector<16xf32>,
    tpu.vector_store %arg10[%swap3A_623], %gather3A_622 {strides = array<i32>} : memref<1152xf32, #tpu.memory_space<vmem>>, vector<16xf32>,
    %iota3A_625 = tpu.iota {dimensions = array<i32: 0>} : vector<16xi32>
    %add3A_626 = arith.constant 432 : i32
    %add3A_627 = vector.broadcast %add3A_626 : i32 to vector<16xi32>
    %add3A_628 = arith.addi %iota3A_625, %add3A_627 : vector<16xi32>
    %div3A_629 = arith.constant 9 : i32
    %div3A_630 = vector.broadcast %div3A_629 : i32 to vector<16xi32>
    %div3A_631 = arith.divsi %add3A_628, %div3A_630 : vector<16xi32>
    %rem3A_632 = arith.constant 9 : i32
    %rem3A_633 = vector.broadcast %rem3A_632 : i32 to vector<16xi32>
    %rem3A_634 = arith.remsi %add3A_628, %rem3A_633 : vector<16xi32>
    %gather3A_635 = tpu.vector_load_idx %arg6[%div3A_631] : memref<128xi32, #tpu.memory_space<vmem>>[vector<16xi32>], vector<16xi32>,
    %mul3A_636 = arith.constant 9 : i32
    %mul3A_637 = vector.broadcast %mul3A_636 : i32 to vector<16xi32>
    %mul3A_638 = arith.muli %gather3A_635, %mul3A_637 : vector<16xi32>
    %add3A_639 = arith.addi %mul3A_638, %rem3A_634 : vector<16xi32>
    %gather3A_640 = tpu.vector_load_idx %arg9[%add3A_639] : memref<96xf32, #tpu.memory_space<vmem>>[vector<16xi32>], vector<16xf32>,
    %swap3A_641 = arith.constant 432 : index
    %swap3A_642 = tpu.vector_load %arg10[%swap3A_641] {strides = array<i32>} : memref<1152xf32, #tpu.memory_space<vmem>>, vector<16xf32>,
    tpu.vector_store %arg10[%swap3A_641], %gather3A_640 {strides = array<i32>} : memref<1152xf32, #tpu.memory_space<vmem>>, vector<16xf32>,
    %iota3A_643 = tpu.iota {dimensions = array<i32: 0>} : vector<16xi32>
    %add3A_644 = arith.constant 448 : i32
    %add3A_645 = vector.broadcast %add3A_644 : i32 to vector<16xi32>
    %add3A_646 = arith.addi %iota3A_643, %add3A_645 : vector<16xi32>
    %div3A_647 = arith.constant 9 : i32
    %div3A_648 = vector.broadcast %div3A_647 : i32 to vector<16xi32>
    %div3A_649 = arith.divsi %add3A_646, %div3A_648 : vector<16xi32>
    %rem3A_650 = arith.constant 9 : i32
    %rem3A_651 = vector.broadcast %rem3A_650 : i32 to vector<16xi32>
    %rem3A_652 = arith.remsi %add3A_646, %rem3A_651 : vector<16xi32>
    %gather3A_653 = tpu.vector_load_idx %arg6[%div3A_649] : memref<128xi32, #tpu.memory_space<vmem>>[vector<16xi32>], vector<16xi32>,
    %mul3A_654 = arith.constant 9 : i32
    %mul3A_655 = vector.broadcast %mul3A_654 : i32 to vector<16xi32>
    %mul3A_656 = arith.muli %gather3A_653, %mul3A_655 : vector<16xi32>
    %add3A_657 = arith.addi %mul3A_656, %rem3A_652 : vector<16xi32>
    %gather3A_658 = tpu.vector_load_idx %arg9[%add3A_657] : memref<96xf32, #tpu.memory_space<vmem>>[vector<16xi32>], vector<16xf32>,
    %swap3A_659 = arith.constant 448 : index
    %swap3A_660 = tpu.vector_load %arg10[%swap3A_659] {strides = array<i32>} : memref<1152xf32, #tpu.memory_space<vmem>>, vector<16xf32>,
    tpu.vector_store %arg10[%swap3A_659], %gather3A_658 {strides = array<i32>} : memref<1152xf32, #tpu.memory_space<vmem>>, vector<16xf32>,
    %iota3A_661 = tpu.iota {dimensions = array<i32: 0>} : vector<16xi32>
    %add3A_662 = arith.constant 464 : i32
    %add3A_663 = vector.broadcast %add3A_662 : i32 to vector<16xi32>
    %add3A_664 = arith.addi %iota3A_661, %add3A_663 : vector<16xi32>
    %div3A_665 = arith.constant 9 : i32
    %div3A_666 = vector.broadcast %div3A_665 : i32 to vector<16xi32>
    %div3A_667 = arith.divsi %add3A_664, %div3A_666 : vector<16xi32>
    %rem3A_668 = arith.constant 9 : i32
    %rem3A_669 = vector.broadcast %rem3A_668 : i32 to vector<16xi32>
    %rem3A_670 = arith.remsi %add3A_664, %rem3A_669 : vector<16xi32>
    %gather3A_671 = tpu.vector_load_idx %arg6[%div3A_667] : memref<128xi32, #tpu.memory_space<vmem>>[vector<16xi32>], vector<16xi32>,
    %mul3A_672 = arith.constant 9 : i32
    %mul3A_673 = vector.broadcast %mul3A_672 : i32 to vector<16xi32>
    %mul3A_674 = arith.muli %gather3A_671, %mul3A_673 : vector<16xi32>
    %add3A_675 = arith.addi %mul3A_674, %rem3A_670 : vector<16xi32>
    %gather3A_676 = tpu.vector_load_idx %arg9[%add3A_675] : memref<96xf32, #tpu.memory_space<vmem>>[vector<16xi32>], vector<16xf32>,
    %swap3A_677 = arith.constant 464 : index
    %swap3A_678 = tpu.vector_load %arg10[%swap3A_677] {strides = array<i32>} : memref<1152xf32, #tpu.memory_space<vmem>>, vector<16xf32>,
    tpu.vector_store %arg10[%swap3A_677], %gather3A_676 {strides = array<i32>} : memref<1152xf32, #tpu.memory_space<vmem>>, vector<16xf32>,
    %iota3A_679 = tpu.iota {dimensions = array<i32: 0>} : vector<16xi32>
    %add3A_680 = arith.constant 480 : i32
    %add3A_681 = vector.broadcast %add3A_680 : i32 to vector<16xi32>
    %add3A_682 = arith.addi %iota3A_679, %add3A_681 : vector<16xi32>
    %div3A_683 = arith.constant 9 : i32
    %div3A_684 = vector.broadcast %div3A_683 : i32 to vector<16xi32>
    %div3A_685 = arith.divsi %add3A_682, %div3A_684 : vector<16xi32>
    %rem3A_686 = arith.constant 9 : i32
    %rem3A_687 = vector.broadcast %rem3A_686 : i32 to vector<16xi32>
    %rem3A_688 = arith.remsi %add3A_682, %rem3A_687 : vector<16xi32>
    %gather3A_689 = tpu.vector_load_idx %arg6[%div3A_685] : memref<128xi32, #tpu.memory_space<vmem>>[vector<16xi32>], vector<16xi32>,
    %mul3A_690 = arith.constant 9 : i32
    %mul3A_691 = vector.broadcast %mul3A_690 : i32 to vector<16xi32>
    %mul3A_692 = arith.muli %gather3A_689, %mul3A_691 : vector<16xi32>
    %add3A_693 = arith.addi %mul3A_692, %rem3A_688 : vector<16xi32>
    %gather3A_694 = tpu.vector_load_idx %arg9[%add3A_693] : memref<96xf32, #tpu.memory_space<vmem>>[vector<16xi32>], vector<16xf32>,
    %swap3A_695 = arith.constant 480 : index
    %swap3A_696 = tpu.vector_load %arg10[%swap3A_695] {strides = array<i32>} : memref<1152xf32, #tpu.memory_space<vmem>>, vector<16xf32>,
    tpu.vector_store %arg10[%swap3A_695], %gather3A_694 {strides = array<i32>} : memref<1152xf32, #tpu.memory_space<vmem>>, vector<16xf32>,
    %iota3A_697 = tpu.iota {dimensions = array<i32: 0>} : vector<16xi32>
    %add3A_698 = arith.constant 496 : i32
    %add3A_699 = vector.broadcast %add3A_698 : i32 to vector<16xi32>
    %add3A_700 = arith.addi %iota3A_697, %add3A_699 : vector<16xi32>
    %div3A_701 = arith.constant 9 : i32
    %div3A_702 = vector.broadcast %div3A_701 : i32 to vector<16xi32>
    %div3A_703 = arith.divsi %add3A_700, %div3A_702 : vector<16xi32>
    %rem3A_704 = arith.constant 9 : i32
    %rem3A_705 = vector.broadcast %rem3A_704 : i32 to vector<16xi32>
    %rem3A_706 = arith.remsi %add3A_700, %rem3A_705 : vector<16xi32>
    %gather3A_707 = tpu.vector_load_idx %arg6[%div3A_703] : memref<128xi32, #tpu.memory_space<vmem>>[vector<16xi32>], vector<16xi32>,
    %mul3A_708 = arith.constant 9 : i32
    %mul3A_709 = vector.broadcast %mul3A_708 : i32 to vector<16xi32>
    %mul3A_710 = arith.muli %gather3A_707, %mul3A_709 : vector<16xi32>
    %add3A_711 = arith.addi %mul3A_710, %rem3A_706 : vector<16xi32>
    %gather3A_712 = tpu.vector_load_idx %arg9[%add3A_711] : memref<96xf32, #tpu.memory_space<vmem>>[vector<16xi32>], vector<16xf32>,
    %swap3A_713 = arith.constant 496 : index
    %swap3A_714 = tpu.vector_load %arg10[%swap3A_713] {strides = array<i32>} : memref<1152xf32, #tpu.memory_space<vmem>>, vector<16xf32>,
    tpu.vector_store %arg10[%swap3A_713], %gather3A_712 {strides = array<i32>} : memref<1152xf32, #tpu.memory_space<vmem>>, vector<16xf32>,
    %iota3A_715 = tpu.iota {dimensions = array<i32: 0>} : vector<16xi32>
    %add3A_716 = arith.constant 512 : i32
    %add3A_717 = vector.broadcast %add3A_716 : i32 to vector<16xi32>
    %add3A_718 = arith.addi %iota3A_715, %add3A_717 : vector<16xi32>
    %div3A_719 = arith.constant 9 : i32
    %div3A_720 = vector.broadcast %div3A_719 : i32 to vector<16xi32>
    %div3A_721 = arith.divsi %add3A_718, %div3A_720 : vector<16xi32>
    %rem3A_722 = arith.constant 9 : i32
    %rem3A_723 = vector.broadcast %rem3A_722 : i32 to vector<16xi32>
    %rem3A_724 = arith.remsi %add3A_718, %rem3A_723 : vector<16xi32>
    %gather3A_725 = tpu.vector_load_idx %arg6[%div3A_721] : memref<128xi32, #tpu.memory_space<vmem>>[vector<16xi32>], vector<16xi32>,
    %mul3A_726 = arith.constant 9 : i32
    %mul3A_727 = vector.broadcast %mul3A_726 : i32 to vector<16xi32>
    %mul3A_728 = arith.muli %gather3A_725, %mul3A_727 : vector<16xi32>
    %add3A_729 = arith.addi %mul3A_728, %rem3A_724 : vector<16xi32>
    %gather3A_730 = tpu.vector_load_idx %arg9[%add3A_729] : memref<96xf32, #tpu.memory_space<vmem>>[vector<16xi32>], vector<16xf32>,
    %swap3A_731 = arith.constant 512 : index
    %swap3A_732 = tpu.vector_load %arg10[%swap3A_731] {strides = array<i32>} : memref<1152xf32, #tpu.memory_space<vmem>>, vector<16xf32>,
    tpu.vector_store %arg10[%swap3A_731], %gather3A_730 {strides = array<i32>} : memref<1152xf32, #tpu.memory_space<vmem>>, vector<16xf32>,
    %iota3A_733 = tpu.iota {dimensions = array<i32: 0>} : vector<16xi32>
    %add3A_734 = arith.constant 528 : i32
    %add3A_735 = vector.broadcast %add3A_734 : i32 to vector<16xi32>
    %add3A_736 = arith.addi %iota3A_733, %add3A_735 : vector<16xi32>
    %div3A_737 = arith.constant 9 : i32
    %div3A_738 = vector.broadcast %div3A_737 : i32 to vector<16xi32>
    %div3A_739 = arith.divsi %add3A_736, %div3A_738 : vector<16xi32>
    %rem3A_740 = arith.constant 9 : i32
    %rem3A_741 = vector.broadcast %rem3A_740 : i32 to vector<16xi32>
    %rem3A_742 = arith.remsi %add3A_736, %rem3A_741 : vector<16xi32>
    %gather3A_743 = tpu.vector_load_idx %arg6[%div3A_739] : memref<128xi32, #tpu.memory_space<vmem>>[vector<16xi32>], vector<16xi32>,
    %mul3A_744 = arith.constant 9 : i32
    %mul3A_745 = vector.broadcast %mul3A_744 : i32 to vector<16xi32>
    %mul3A_746 = arith.muli %gather3A_743, %mul3A_745 : vector<16xi32>
    %add3A_747 = arith.addi %mul3A_746, %rem3A_742 : vector<16xi32>
    %gather3A_748 = tpu.vector_load_idx %arg9[%add3A_747] : memref<96xf32, #tpu.memory_space<vmem>>[vector<16xi32>], vector<16xf32>,
    %swap3A_749 = arith.constant 528 : index
    %swap3A_750 = tpu.vector_load %arg10[%swap3A_749] {strides = array<i32>} : memref<1152xf32, #tpu.memory_space<vmem>>, vector<16xf32>,
    tpu.vector_store %arg10[%swap3A_749], %gather3A_748 {strides = array<i32>} : memref<1152xf32, #tpu.memory_space<vmem>>, vector<16xf32>,
    %iota3A_751 = tpu.iota {dimensions = array<i32: 0>} : vector<16xi32>
    %add3A_752 = arith.constant 544 : i32
    %add3A_753 = vector.broadcast %add3A_752 : i32 to vector<16xi32>
    %add3A_754 = arith.addi %iota3A_751, %add3A_753 : vector<16xi32>
    %div3A_755 = arith.constant 9 : i32
    %div3A_756 = vector.broadcast %div3A_755 : i32 to vector<16xi32>
    %div3A_757 = arith.divsi %add3A_754, %div3A_756 : vector<16xi32>
    %rem3A_758 = arith.constant 9 : i32
    %rem3A_759 = vector.broadcast %rem3A_758 : i32 to vector<16xi32>
    %rem3A_760 = arith.remsi %add3A_754, %rem3A_759 : vector<16xi32>
    %gather3A_761 = tpu.vector_load_idx %arg6[%div3A_757] : memref<128xi32, #tpu.memory_space<vmem>>[vector<16xi32>], vector<16xi32>,
    %mul3A_762 = arith.constant 9 : i32
    %mul3A_763 = vector.broadcast %mul3A_762 : i32 to vector<16xi32>
    %mul3A_764 = arith.muli %gather3A_761, %mul3A_763 : vector<16xi32>
    %add3A_765 = arith.addi %mul3A_764, %rem3A_760 : vector<16xi32>
    %gather3A_766 = tpu.vector_load_idx %arg9[%add3A_765] : memref<96xf32, #tpu.memory_space<vmem>>[vector<16xi32>], vector<16xf32>,
    %swap3A_767 = arith.constant 544 : index
    %swap3A_768 = tpu.vector_load %arg10[%swap3A_767] {strides = array<i32>} : memref<1152xf32, #tpu.memory_space<vmem>>, vector<16xf32>,
    tpu.vector_store %arg10[%swap3A_767], %gather3A_766 {strides = array<i32>} : memref<1152xf32, #tpu.memory_space<vmem>>, vector<16xf32>,
    %iota3A_769 = tpu.iota {dimensions = array<i32: 0>} : vector<16xi32>
    %add3A_770 = arith.constant 560 : i32
    %add3A_771 = vector.broadcast %add3A_770 : i32 to vector<16xi32>
    %add3A_772 = arith.addi %iota3A_769, %add3A_771 : vector<16xi32>
    %div3A_773 = arith.constant 9 : i32
    %div3A_774 = vector.broadcast %div3A_773 : i32 to vector<16xi32>
    %div3A_775 = arith.divsi %add3A_772, %div3A_774 : vector<16xi32>
    %rem3A_776 = arith.constant 9 : i32
    %rem3A_777 = vector.broadcast %rem3A_776 : i32 to vector<16xi32>
    %rem3A_778 = arith.remsi %add3A_772, %rem3A_777 : vector<16xi32>
    %gather3A_779 = tpu.vector_load_idx %arg6[%div3A_775] : memref<128xi32, #tpu.memory_space<vmem>>[vector<16xi32>], vector<16xi32>,
    %mul3A_780 = arith.constant 9 : i32
    %mul3A_781 = vector.broadcast %mul3A_780 : i32 to vector<16xi32>
    %mul3A_782 = arith.muli %gather3A_779, %mul3A_781 : vector<16xi32>
    %add3A_783 = arith.addi %mul3A_782, %rem3A_778 : vector<16xi32>
    %gather3A_784 = tpu.vector_load_idx %arg9[%add3A_783] : memref<96xf32, #tpu.memory_space<vmem>>[vector<16xi32>], vector<16xf32>,
    %swap3A_785 = arith.constant 560 : index
    %swap3A_786 = tpu.vector_load %arg10[%swap3A_785] {strides = array<i32>} : memref<1152xf32, #tpu.memory_space<vmem>>, vector<16xf32>,
    tpu.vector_store %arg10[%swap3A_785], %gather3A_784 {strides = array<i32>} : memref<1152xf32, #tpu.memory_space<vmem>>, vector<16xf32>,
    %iota3A_787 = tpu.iota {dimensions = array<i32: 0>} : vector<16xi32>
    %add3A_788 = arith.constant 576 : i32
    %add3A_789 = vector.broadcast %add3A_788 : i32 to vector<16xi32>
    %add3A_790 = arith.addi %iota3A_787, %add3A_789 : vector<16xi32>
    %div3A_791 = arith.constant 9 : i32
    %div3A_792 = vector.broadcast %div3A_791 : i32 to vector<16xi32>
    %div3A_793 = arith.divsi %add3A_790, %div3A_792 : vector<16xi32>
    %rem3A_794 = arith.constant 9 : i32
    %rem3A_795 = vector.broadcast %rem3A_794 : i32 to vector<16xi32>
    %rem3A_796 = arith.remsi %add3A_790, %rem3A_795 : vector<16xi32>
    %gather3A_797 = tpu.vector_load_idx %arg6[%div3A_793] : memref<128xi32, #tpu.memory_space<vmem>>[vector<16xi32>], vector<16xi32>,
    %mul3A_798 = arith.constant 9 : i32
    %mul3A_799 = vector.broadcast %mul3A_798 : i32 to vector<16xi32>
    %mul3A_800 = arith.muli %gather3A_797, %mul3A_799 : vector<16xi32>
    %add3A_801 = arith.addi %mul3A_800, %rem3A_796 : vector<16xi32>
    %gather3A_802 = tpu.vector_load_idx %arg9[%add3A_801] : memref<96xf32, #tpu.memory_space<vmem>>[vector<16xi32>], vector<16xf32>,
    %swap3A_803 = arith.constant 576 : index
    %swap3A_804 = tpu.vector_load %arg10[%swap3A_803] {strides = array<i32>} : memref<1152xf32, #tpu.memory_space<vmem>>, vector<16xf32>,
    tpu.vector_store %arg10[%swap3A_803], %gather3A_802 {strides = array<i32>} : memref<1152xf32, #tpu.memory_space<vmem>>, vector<16xf32>,
    %iota3A_805 = tpu.iota {dimensions = array<i32: 0>} : vector<16xi32>
    %add3A_806 = arith.constant 592 : i32
    %add3A_807 = vector.broadcast %add3A_806 : i32 to vector<16xi32>
    %add3A_808 = arith.addi %iota3A_805, %add3A_807 : vector<16xi32>
    %div3A_809 = arith.constant 9 : i32
    %div3A_810 = vector.broadcast %div3A_809 : i32 to vector<16xi32>
    %div3A_811 = arith.divsi %add3A_808, %div3A_810 : vector<16xi32>
    %rem3A_812 = arith.constant 9 : i32
    %rem3A_813 = vector.broadcast %rem3A_812 : i32 to vector<16xi32>
    %rem3A_814 = arith.remsi %add3A_808, %rem3A_813 : vector<16xi32>
    %gather3A_815 = tpu.vector_load_idx %arg6[%div3A_811] : memref<128xi32, #tpu.memory_space<vmem>>[vector<16xi32>], vector<16xi32>,
    %mul3A_816 = arith.constant 9 : i32
    %mul3A_817 = vector.broadcast %mul3A_816 : i32 to vector<16xi32>
    %mul3A_818 = arith.muli %gather3A_815, %mul3A_817 : vector<16xi32>
    %add3A_819 = arith.addi %mul3A_818, %rem3A_814 : vector<16xi32>
    %gather3A_820 = tpu.vector_load_idx %arg9[%add3A_819] : memref<96xf32, #tpu.memory_space<vmem>>[vector<16xi32>], vector<16xf32>,
    %swap3A_821 = arith.constant 592 : index
    %swap3A_822 = tpu.vector_load %arg10[%swap3A_821] {strides = array<i32>} : memref<1152xf32, #tpu.memory_space<vmem>>, vector<16xf32>,
    tpu.vector_store %arg10[%swap3A_821], %gather3A_820 {strides = array<i32>} : memref<1152xf32, #tpu.memory_space<vmem>>, vector<16xf32>,
    %iota3A_823 = tpu.iota {dimensions = array<i32: 0>} : vector<16xi32>
    %add3A_824 = arith.constant 608 : i32
    %add3A_825 = vector.broadcast %add3A_824 : i32 to vector<16xi32>
    %add3A_826 = arith.addi %iota3A_823, %add3A_825 : vector<16xi32>
    %div3A_827 = arith.constant 9 : i32
    %div3A_828 = vector.broadcast %div3A_827 : i32 to vector<16xi32>
    %div3A_829 = arith.divsi %add3A_826, %div3A_828 : vector<16xi32>
    %rem3A_830 = arith.constant 9 : i32
    %rem3A_831 = vector.broadcast %rem3A_830 : i32 to vector<16xi32>
    %rem3A_832 = arith.remsi %add3A_826, %rem3A_831 : vector<16xi32>
    %gather3A_833 = tpu.vector_load_idx %arg6[%div3A_829] : memref<128xi32, #tpu.memory_space<vmem>>[vector<16xi32>], vector<16xi32>,
    %mul3A_834 = arith.constant 9 : i32
    %mul3A_835 = vector.broadcast %mul3A_834 : i32 to vector<16xi32>
    %mul3A_836 = arith.muli %gather3A_833, %mul3A_835 : vector<16xi32>
    %add3A_837 = arith.addi %mul3A_836, %rem3A_832 : vector<16xi32>
    %gather3A_838 = tpu.vector_load_idx %arg9[%add3A_837] : memref<96xf32, #tpu.memory_space<vmem>>[vector<16xi32>], vector<16xf32>,
    %swap3A_839 = arith.constant 608 : index
    %swap3A_840 = tpu.vector_load %arg10[%swap3A_839] {strides = array<i32>} : memref<1152xf32, #tpu.memory_space<vmem>>, vector<16xf32>,
    tpu.vector_store %arg10[%swap3A_839], %gather3A_838 {strides = array<i32>} : memref<1152xf32, #tpu.memory_space<vmem>>, vector<16xf32>,
    %iota3A_841 = tpu.iota {dimensions = array<i32: 0>} : vector<16xi32>
    %add3A_842 = arith.constant 624 : i32
    %add3A_843 = vector.broadcast %add3A_842 : i32 to vector<16xi32>
    %add3A_844 = arith.addi %iota3A_841, %add3A_843 : vector<16xi32>
    %div3A_845 = arith.constant 9 : i32
    %div3A_846 = vector.broadcast %div3A_845 : i32 to vector<16xi32>
    %div3A_847 = arith.divsi %add3A_844, %div3A_846 : vector<16xi32>
    %rem3A_848 = arith.constant 9 : i32
    %rem3A_849 = vector.broadcast %rem3A_848 : i32 to vector<16xi32>
    %rem3A_850 = arith.remsi %add3A_844, %rem3A_849 : vector<16xi32>
    %gather3A_851 = tpu.vector_load_idx %arg6[%div3A_847] : memref<128xi32, #tpu.memory_space<vmem>>[vector<16xi32>], vector<16xi32>,
    %mul3A_852 = arith.constant 9 : i32
    %mul3A_853 = vector.broadcast %mul3A_852 : i32 to vector<16xi32>
    %mul3A_854 = arith.muli %gather3A_851, %mul3A_853 : vector<16xi32>
    %add3A_855 = arith.addi %mul3A_854, %rem3A_850 : vector<16xi32>
    %gather3A_856 = tpu.vector_load_idx %arg9[%add3A_855] : memref<96xf32, #tpu.memory_space<vmem>>[vector<16xi32>], vector<16xf32>,
    %swap3A_857 = arith.constant 624 : index
    %swap3A_858 = tpu.vector_load %arg10[%swap3A_857] {strides = array<i32>} : memref<1152xf32, #tpu.memory_space<vmem>>, vector<16xf32>,
    tpu.vector_store %arg10[%swap3A_857], %gather3A_856 {strides = array<i32>} : memref<1152xf32, #tpu.memory_space<vmem>>, vector<16xf32>,
    %iota3A_859 = tpu.iota {dimensions = array<i32: 0>} : vector<16xi32>
    %add3A_860 = arith.constant 640 : i32
    %add3A_861 = vector.broadcast %add3A_860 : i32 to vector<16xi32>
    %add3A_862 = arith.addi %iota3A_859, %add3A_861 : vector<16xi32>
    %div3A_863 = arith.constant 9 : i32
    %div3A_864 = vector.broadcast %div3A_863 : i32 to vector<16xi32>
    %div3A_865 = arith.divsi %add3A_862, %div3A_864 : vector<16xi32>
    %rem3A_866 = arith.constant 9 : i32
    %rem3A_867 = vector.broadcast %rem3A_866 : i32 to vector<16xi32>
    %rem3A_868 = arith.remsi %add3A_862, %rem3A_867 : vector<16xi32>
    %gather3A_869 = tpu.vector_load_idx %arg6[%div3A_865] : memref<128xi32, #tpu.memory_space<vmem>>[vector<16xi32>], vector<16xi32>,
    %mul3A_870 = arith.constant 9 : i32
    %mul3A_871 = vector.broadcast %mul3A_870 : i32 to vector<16xi32>
    %mul3A_872 = arith.muli %gather3A_869, %mul3A_871 : vector<16xi32>
    %add3A_873 = arith.addi %mul3A_872, %rem3A_868 : vector<16xi32>
    %gather3A_874 = tpu.vector_load_idx %arg9[%add3A_873] : memref<96xf32, #tpu.memory_space<vmem>>[vector<16xi32>], vector<16xf32>,
    %swap3A_875 = arith.constant 640 : index
    %swap3A_876 = tpu.vector_load %arg10[%swap3A_875] {strides = array<i32>} : memref<1152xf32, #tpu.memory_space<vmem>>, vector<16xf32>,
    tpu.vector_store %arg10[%swap3A_875], %gather3A_874 {strides = array<i32>} : memref<1152xf32, #tpu.memory_space<vmem>>, vector<16xf32>,
    %iota3A_877 = tpu.iota {dimensions = array<i32: 0>} : vector<16xi32>
    %add3A_878 = arith.constant 656 : i32
    %add3A_879 = vector.broadcast %add3A_878 : i32 to vector<16xi32>
    %add3A_880 = arith.addi %iota3A_877, %add3A_879 : vector<16xi32>
    %div3A_881 = arith.constant 9 : i32
    %div3A_882 = vector.broadcast %div3A_881 : i32 to vector<16xi32>
    %div3A_883 = arith.divsi %add3A_880, %div3A_882 : vector<16xi32>
    %rem3A_884 = arith.constant 9 : i32
    %rem3A_885 = vector.broadcast %rem3A_884 : i32 to vector<16xi32>
    %rem3A_886 = arith.remsi %add3A_880, %rem3A_885 : vector<16xi32>
    %gather3A_887 = tpu.vector_load_idx %arg6[%div3A_883] : memref<128xi32, #tpu.memory_space<vmem>>[vector<16xi32>], vector<16xi32>,
    %mul3A_888 = arith.constant 9 : i32
    %mul3A_889 = vector.broadcast %mul3A_888 : i32 to vector<16xi32>
    %mul3A_890 = arith.muli %gather3A_887, %mul3A_889 : vector<16xi32>
    %add3A_891 = arith.addi %mul3A_890, %rem3A_886 : vector<16xi32>
    %gather3A_892 = tpu.vector_load_idx %arg9[%add3A_891] : memref<96xf32, #tpu.memory_space<vmem>>[vector<16xi32>], vector<16xf32>,
    %swap3A_893 = arith.constant 656 : index
    %swap3A_894 = tpu.vector_load %arg10[%swap3A_893] {strides = array<i32>} : memref<1152xf32, #tpu.memory_space<vmem>>, vector<16xf32>,
    tpu.vector_store %arg10[%swap3A_893], %gather3A_892 {strides = array<i32>} : memref<1152xf32, #tpu.memory_space<vmem>>, vector<16xf32>,
    %iota3A_895 = tpu.iota {dimensions = array<i32: 0>} : vector<16xi32>
    %add3A_896 = arith.constant 672 : i32
    %add3A_897 = vector.broadcast %add3A_896 : i32 to vector<16xi32>
    %add3A_898 = arith.addi %iota3A_895, %add3A_897 : vector<16xi32>
    %div3A_899 = arith.constant 9 : i32
    %div3A_900 = vector.broadcast %div3A_899 : i32 to vector<16xi32>
    %div3A_901 = arith.divsi %add3A_898, %div3A_900 : vector<16xi32>
    %rem3A_902 = arith.constant 9 : i32
    %rem3A_903 = vector.broadcast %rem3A_902 : i32 to vector<16xi32>
    %rem3A_904 = arith.remsi %add3A_898, %rem3A_903 : vector<16xi32>
    %gather3A_905 = tpu.vector_load_idx %arg6[%div3A_901] : memref<128xi32, #tpu.memory_space<vmem>>[vector<16xi32>], vector<16xi32>,
    %mul3A_906 = arith.constant 9 : i32
    %mul3A_907 = vector.broadcast %mul3A_906 : i32 to vector<16xi32>
    %mul3A_908 = arith.muli %gather3A_905, %mul3A_907 : vector<16xi32>
    %add3A_909 = arith.addi %mul3A_908, %rem3A_904 : vector<16xi32>
    %gather3A_910 = tpu.vector_load_idx %arg9[%add3A_909] : memref<96xf32, #tpu.memory_space<vmem>>[vector<16xi32>], vector<16xf32>,
    %swap3A_911 = arith.constant 672 : index
    %swap3A_912 = tpu.vector_load %arg10[%swap3A_911] {strides = array<i32>} : memref<1152xf32, #tpu.memory_space<vmem>>, vector<16xf32>,
    tpu.vector_store %arg10[%swap3A_911], %gather3A_910 {strides = array<i32>} : memref<1152xf32, #tpu.memory_space<vmem>>, vector<16xf32>,
    %iota3A_913 = tpu.iota {dimensions = array<i32: 0>} : vector<16xi32>
    %add3A_914 = arith.constant 688 : i32
    %add3A_915 = vector.broadcast %add3A_914 : i32 to vector<16xi32>
    %add3A_916 = arith.addi %iota3A_913, %add3A_915 : vector<16xi32>
    %div3A_917 = arith.constant 9 : i32
    %div3A_918 = vector.broadcast %div3A_917 : i32 to vector<16xi32>
    %div3A_919 = arith.divsi %add3A_916, %div3A_918 : vector<16xi32>
    %rem3A_920 = arith.constant 9 : i32
    %rem3A_921 = vector.broadcast %rem3A_920 : i32 to vector<16xi32>
    %rem3A_922 = arith.remsi %add3A_916, %rem3A_921 : vector<16xi32>
    %gather3A_923 = tpu.vector_load_idx %arg6[%div3A_919] : memref<128xi32, #tpu.memory_space<vmem>>[vector<16xi32>], vector<16xi32>,
    %mul3A_924 = arith.constant 9 : i32
    %mul3A_925 = vector.broadcast %mul3A_924 : i32 to vector<16xi32>
    %mul3A_926 = arith.muli %gather3A_923, %mul3A_925 : vector<16xi32>
    %add3A_927 = arith.addi %mul3A_926, %rem3A_922 : vector<16xi32>
    %gather3A_928 = tpu.vector_load_idx %arg9[%add3A_927] : memref<96xf32, #tpu.memory_space<vmem>>[vector<16xi32>], vector<16xf32>,
    %swap3A_929 = arith.constant 688 : index
    %swap3A_930 = tpu.vector_load %arg10[%swap3A_929] {strides = array<i32>} : memref<1152xf32, #tpu.memory_space<vmem>>, vector<16xf32>,
    tpu.vector_store %arg10[%swap3A_929], %gather3A_928 {strides = array<i32>} : memref<1152xf32, #tpu.memory_space<vmem>>, vector<16xf32>,
    %iota3A_931 = tpu.iota {dimensions = array<i32: 0>} : vector<16xi32>
    %add3A_932 = arith.constant 704 : i32
    %add3A_933 = vector.broadcast %add3A_932 : i32 to vector<16xi32>
    %add3A_934 = arith.addi %iota3A_931, %add3A_933 : vector<16xi32>
    %div3A_935 = arith.constant 9 : i32
    %div3A_936 = vector.broadcast %div3A_935 : i32 to vector<16xi32>
    %div3A_937 = arith.divsi %add3A_934, %div3A_936 : vector<16xi32>
    %rem3A_938 = arith.constant 9 : i32
    %rem3A_939 = vector.broadcast %rem3A_938 : i32 to vector<16xi32>
    %rem3A_940 = arith.remsi %add3A_934, %rem3A_939 : vector<16xi32>
    %gather3A_941 = tpu.vector_load_idx %arg6[%div3A_937] : memref<128xi32, #tpu.memory_space<vmem>>[vector<16xi32>], vector<16xi32>,
    %mul3A_942 = arith.constant 9 : i32
    %mul3A_943 = vector.broadcast %mul3A_942 : i32 to vector<16xi32>
    %mul3A_944 = arith.muli %gather3A_941, %mul3A_943 : vector<16xi32>
    %add3A_945 = arith.addi %mul3A_944, %rem3A_940 : vector<16xi32>
    %gather3A_946 = tpu.vector_load_idx %arg9[%add3A_945] : memref<96xf32, #tpu.memory_space<vmem>>[vector<16xi32>], vector<16xf32>,
    %swap3A_947 = arith.constant 704 : index
    %swap3A_948 = tpu.vector_load %arg10[%swap3A_947] {strides = array<i32>} : memref<1152xf32, #tpu.memory_space<vmem>>, vector<16xf32>,
    tpu.vector_store %arg10[%swap3A_947], %gather3A_946 {strides = array<i32>} : memref<1152xf32, #tpu.memory_space<vmem>>, vector<16xf32>,
    %iota3A_949 = tpu.iota {dimensions = array<i32: 0>} : vector<16xi32>
    %add3A_950 = arith.constant 720 : i32
    %add3A_951 = vector.broadcast %add3A_950 : i32 to vector<16xi32>
    %add3A_952 = arith.addi %iota3A_949, %add3A_951 : vector<16xi32>
    %div3A_953 = arith.constant 9 : i32
    %div3A_954 = vector.broadcast %div3A_953 : i32 to vector<16xi32>
    %div3A_955 = arith.divsi %add3A_952, %div3A_954 : vector<16xi32>
    %rem3A_956 = arith.constant 9 : i32
    %rem3A_957 = vector.broadcast %rem3A_956 : i32 to vector<16xi32>
    %rem3A_958 = arith.remsi %add3A_952, %rem3A_957 : vector<16xi32>
    %gather3A_959 = tpu.vector_load_idx %arg6[%div3A_955] : memref<128xi32, #tpu.memory_space<vmem>>[vector<16xi32>], vector<16xi32>,
    %mul3A_960 = arith.constant 9 : i32
    %mul3A_961 = vector.broadcast %mul3A_960 : i32 to vector<16xi32>
    %mul3A_962 = arith.muli %gather3A_959, %mul3A_961 : vector<16xi32>
    %add3A_963 = arith.addi %mul3A_962, %rem3A_958 : vector<16xi32>
    %gather3A_964 = tpu.vector_load_idx %arg9[%add3A_963] : memref<96xf32, #tpu.memory_space<vmem>>[vector<16xi32>], vector<16xf32>,
    %swap3A_965 = arith.constant 720 : index
    %swap3A_966 = tpu.vector_load %arg10[%swap3A_965] {strides = array<i32>} : memref<1152xf32, #tpu.memory_space<vmem>>, vector<16xf32>,
    tpu.vector_store %arg10[%swap3A_965], %gather3A_964 {strides = array<i32>} : memref<1152xf32, #tpu.memory_space<vmem>>, vector<16xf32>,
    %iota3A_967 = tpu.iota {dimensions = array<i32: 0>} : vector<16xi32>
    %add3A_968 = arith.constant 736 : i32
    %add3A_969 = vector.broadcast %add3A_968 : i32 to vector<16xi32>
    %add3A_970 = arith.addi %iota3A_967, %add3A_969 : vector<16xi32>
    %div3A_971 = arith.constant 9 : i32
    %div3A_972 = vector.broadcast %div3A_971 : i32 to vector<16xi32>
    %div3A_973 = arith.divsi %add3A_970, %div3A_972 : vector<16xi32>
    %rem3A_974 = arith.constant 9 : i32
    %rem3A_975 = vector.broadcast %rem3A_974 : i32 to vector<16xi32>
    %rem3A_976 = arith.remsi %add3A_970, %rem3A_975 : vector<16xi32>
    %gather3A_977 = tpu.vector_load_idx %arg6[%div3A_973] : memref<128xi32, #tpu.memory_space<vmem>>[vector<16xi32>], vector<16xi32>,
    %mul3A_978 = arith.constant 9 : i32
    %mul3A_979 = vector.broadcast %mul3A_978 : i32 to vector<16xi32>
    %mul3A_980 = arith.muli %gather3A_977, %mul3A_979 : vector<16xi32>
    %add3A_981 = arith.addi %mul3A_980, %rem3A_976 : vector<16xi32>
    %gather3A_982 = tpu.vector_load_idx %arg9[%add3A_981] : memref<96xf32, #tpu.memory_space<vmem>>[vector<16xi32>], vector<16xf32>,
    %swap3A_983 = arith.constant 736 : index
    %swap3A_984 = tpu.vector_load %arg10[%swap3A_983] {strides = array<i32>} : memref<1152xf32, #tpu.memory_space<vmem>>, vector<16xf32>,
    tpu.vector_store %arg10[%swap3A_983], %gather3A_982 {strides = array<i32>} : memref<1152xf32, #tpu.memory_space<vmem>>, vector<16xf32>,
    %iota3A_985 = tpu.iota {dimensions = array<i32: 0>} : vector<16xi32>
    %add3A_986 = arith.constant 752 : i32
    %add3A_987 = vector.broadcast %add3A_986 : i32 to vector<16xi32>
    %add3A_988 = arith.addi %iota3A_985, %add3A_987 : vector<16xi32>
    %div3A_989 = arith.constant 9 : i32
    %div3A_990 = vector.broadcast %div3A_989 : i32 to vector<16xi32>
    %div3A_991 = arith.divsi %add3A_988, %div3A_990 : vector<16xi32>
    %rem3A_992 = arith.constant 9 : i32
    %rem3A_993 = vector.broadcast %rem3A_992 : i32 to vector<16xi32>
    %rem3A_994 = arith.remsi %add3A_988, %rem3A_993 : vector<16xi32>
    %gather3A_995 = tpu.vector_load_idx %arg6[%div3A_991] : memref<128xi32, #tpu.memory_space<vmem>>[vector<16xi32>], vector<16xi32>,
    %mul3A_996 = arith.constant 9 : i32
    %mul3A_997 = vector.broadcast %mul3A_996 : i32 to vector<16xi32>
    %mul3A_998 = arith.muli %gather3A_995, %mul3A_997 : vector<16xi32>
    %add3A_999 = arith.addi %mul3A_998, %rem3A_994 : vector<16xi32>
    %gather3A_1000 = tpu.vector_load_idx %arg9[%add3A_999] : memref<96xf32, #tpu.memory_space<vmem>>[vector<16xi32>], vector<16xf32>,
    %swap3A_1001 = arith.constant 752 : index
    %swap3A_1002 = tpu.vector_load %arg10[%swap3A_1001] {strides = array<i32>} : memref<1152xf32, #tpu.memory_space<vmem>>, vector<16xf32>,
    tpu.vector_store %arg10[%swap3A_1001], %gather3A_1000 {strides = array<i32>} : memref<1152xf32, #tpu.memory_space<vmem>>, vector<16xf32>,
    %iota3A_1003 = tpu.iota {dimensions = array<i32: 0>} : vector<16xi32>
    %add3A_1004 = arith.constant 768 : i32
    %add3A_1005 = vector.broadcast %add3A_1004 : i32 to vector<16xi32>
    %add3A_1006 = arith.addi %iota3A_1003, %add3A_1005 : vector<16xi32>
    %div3A_1007 = arith.constant 9 : i32
    %div3A_1008 = vector.broadcast %div3A_1007 : i32 to vector<16xi32>
    %div3A_1009 = arith.divsi %add3A_1006, %div3A_1008 : vector<16xi32>
    %rem3A_1010 = arith.constant 9 : i32
    %rem3A_1011 = vector.broadcast %rem3A_1010 : i32 to vector<16xi32>
    %rem3A_1012 = arith.remsi %add3A_1006, %rem3A_1011 : vector<16xi32>
    %gather3A_1013 = tpu.vector_load_idx %arg6[%div3A_1009] : memref<128xi32, #tpu.memory_space<vmem>>[vector<16xi32>], vector<16xi32>,
    %mul3A_1014 = arith.constant 9 : i32
    %mul3A_1015 = vector.broadcast %mul3A_1014 : i32 to vector<16xi32>
    %mul3A_1016 = arith.muli %gather3A_1013, %mul3A_1015 : vector<16xi32>
    %add3A_1017 = arith.addi %mul3A_1016, %rem3A_1012 : vector<16xi32>
    %gather3A_1018 = tpu.vector_load_idx %arg9[%add3A_1017] : memref<96xf32, #tpu.memory_space<vmem>>[vector<16xi32>], vector<16xf32>,
    %swap3A_1019 = arith.constant 768 : index
    %swap3A_1020 = tpu.vector_load %arg10[%swap3A_1019] {strides = array<i32>} : memref<1152xf32, #tpu.memory_space<vmem>>, vector<16xf32>,
    tpu.vector_store %arg10[%swap3A_1019], %gather3A_1018 {strides = array<i32>} : memref<1152xf32, #tpu.memory_space<vmem>>, vector<16xf32>,
    %iota3A_1021 = tpu.iota {dimensions = array<i32: 0>} : vector<16xi32>
    %add3A_1022 = arith.constant 784 : i32
    %add3A_1023 = vector.broadcast %add3A_1022 : i32 to vector<16xi32>
    %add3A_1024 = arith.addi %iota3A_1021, %add3A_1023 : vector<16xi32>
    %div3A_1025 = arith.constant 9 : i32
    %div3A_1026 = vector.broadcast %div3A_1025 : i32 to vector<16xi32>
    %div3A_1027 = arith.divsi %add3A_1024, %div3A_1026 : vector<16xi32>
    %rem3A_1028 = arith.constant 9 : i32
    %rem3A_1029 = vector.broadcast %rem3A_1028 : i32 to vector<16xi32>
    %rem3A_1030 = arith.remsi %add3A_1024, %rem3A_1029 : vector<16xi32>
    %gather3A_1031 = tpu.vector_load_idx %arg6[%div3A_1027] : memref<128xi32, #tpu.memory_space<vmem>>[vector<16xi32>], vector<16xi32>,
    %mul3A_1032 = arith.constant 9 : i32
    %mul3A_1033 = vector.broadcast %mul3A_1032 : i32 to vector<16xi32>
    %mul3A_1034 = arith.muli %gather3A_1031, %mul3A_1033 : vector<16xi32>
    %add3A_1035 = arith.addi %mul3A_1034, %rem3A_1030 : vector<16xi32>
    %gather3A_1036 = tpu.vector_load_idx %arg9[%add3A_1035] : memref<96xf32, #tpu.memory_space<vmem>>[vector<16xi32>], vector<16xf32>,
    %swap3A_1037 = arith.constant 784 : index
    %swap3A_1038 = tpu.vector_load %arg10[%swap3A_1037] {strides = array<i32>} : memref<1152xf32, #tpu.memory_space<vmem>>, vector<16xf32>,
    tpu.vector_store %arg10[%swap3A_1037], %gather3A_1036 {strides = array<i32>} : memref<1152xf32, #tpu.memory_space<vmem>>, vector<16xf32>,
    %iota3A_1039 = tpu.iota {dimensions = array<i32: 0>} : vector<16xi32>
    %add3A_1040 = arith.constant 800 : i32
    %add3A_1041 = vector.broadcast %add3A_1040 : i32 to vector<16xi32>
    %add3A_1042 = arith.addi %iota3A_1039, %add3A_1041 : vector<16xi32>
    %div3A_1043 = arith.constant 9 : i32
    %div3A_1044 = vector.broadcast %div3A_1043 : i32 to vector<16xi32>
    %div3A_1045 = arith.divsi %add3A_1042, %div3A_1044 : vector<16xi32>
    %rem3A_1046 = arith.constant 9 : i32
    %rem3A_1047 = vector.broadcast %rem3A_1046 : i32 to vector<16xi32>
    %rem3A_1048 = arith.remsi %add3A_1042, %rem3A_1047 : vector<16xi32>
    %gather3A_1049 = tpu.vector_load_idx %arg6[%div3A_1045] : memref<128xi32, #tpu.memory_space<vmem>>[vector<16xi32>], vector<16xi32>,
    %mul3A_1050 = arith.constant 9 : i32
    %mul3A_1051 = vector.broadcast %mul3A_1050 : i32 to vector<16xi32>
    %mul3A_1052 = arith.muli %gather3A_1049, %mul3A_1051 : vector<16xi32>
    %add3A_1053 = arith.addi %mul3A_1052, %rem3A_1048 : vector<16xi32>
    %gather3A_1054 = tpu.vector_load_idx %arg9[%add3A_1053] : memref<96xf32, #tpu.memory_space<vmem>>[vector<16xi32>], vector<16xf32>,
    %swap3A_1055 = arith.constant 800 : index
    %swap3A_1056 = tpu.vector_load %arg10[%swap3A_1055] {strides = array<i32>} : memref<1152xf32, #tpu.memory_space<vmem>>, vector<16xf32>,
    tpu.vector_store %arg10[%swap3A_1055], %gather3A_1054 {strides = array<i32>} : memref<1152xf32, #tpu.memory_space<vmem>>, vector<16xf32>,
    %iota3A_1057 = tpu.iota {dimensions = array<i32: 0>} : vector<16xi32>
    %add3A_1058 = arith.constant 816 : i32
    %add3A_1059 = vector.broadcast %add3A_1058 : i32 to vector<16xi32>
    %add3A_1060 = arith.addi %iota3A_1057, %add3A_1059 : vector<16xi32>
    %div3A_1061 = arith.constant 9 : i32
    %div3A_1062 = vector.broadcast %div3A_1061 : i32 to vector<16xi32>
    %div3A_1063 = arith.divsi %add3A_1060, %div3A_1062 : vector<16xi32>
    %rem3A_1064 = arith.constant 9 : i32
    %rem3A_1065 = vector.broadcast %rem3A_1064 : i32 to vector<16xi32>
    %rem3A_1066 = arith.remsi %add3A_1060, %rem3A_1065 : vector<16xi32>
    %gather3A_1067 = tpu.vector_load_idx %arg6[%div3A_1063] : memref<128xi32, #tpu.memory_space<vmem>>[vector<16xi32>], vector<16xi32>,
    %mul3A_1068 = arith.constant 9 : i32
    %mul3A_1069 = vector.broadcast %mul3A_1068 : i32 to vector<16xi32>
    %mul3A_1070 = arith.muli %gather3A_1067, %mul3A_1069 : vector<16xi32>
    %add3A_1071 = arith.addi %mul3A_1070, %rem3A_1066 : vector<16xi32>
    %gather3A_1072 = tpu.vector_load_idx %arg9[%add3A_1071] : memref<96xf32, #tpu.memory_space<vmem>>[vector<16xi32>], vector<16xf32>,
    %swap3A_1073 = arith.constant 816 : index
    %swap3A_1074 = tpu.vector_load %arg10[%swap3A_1073] {strides = array<i32>} : memref<1152xf32, #tpu.memory_space<vmem>>, vector<16xf32>,
    tpu.vector_store %arg10[%swap3A_1073], %gather3A_1072 {strides = array<i32>} : memref<1152xf32, #tpu.memory_space<vmem>>, vector<16xf32>,
    %iota3A_1075 = tpu.iota {dimensions = array<i32: 0>} : vector<16xi32>
    %add3A_1076 = arith.constant 832 : i32
    %add3A_1077 = vector.broadcast %add3A_1076 : i32 to vector<16xi32>
    %add3A_1078 = arith.addi %iota3A_1075, %add3A_1077 : vector<16xi32>
    %div3A_1079 = arith.constant 9 : i32
    %div3A_1080 = vector.broadcast %div3A_1079 : i32 to vector<16xi32>
    %div3A_1081 = arith.divsi %add3A_1078, %div3A_1080 : vector<16xi32>
    %rem3A_1082 = arith.constant 9 : i32
    %rem3A_1083 = vector.broadcast %rem3A_1082 : i32 to vector<16xi32>
    %rem3A_1084 = arith.remsi %add3A_1078, %rem3A_1083 : vector<16xi32>
    %gather3A_1085 = tpu.vector_load_idx %arg6[%div3A_1081] : memref<128xi32, #tpu.memory_space<vmem>>[vector<16xi32>], vector<16xi32>,
    %mul3A_1086 = arith.constant 9 : i32
    %mul3A_1087 = vector.broadcast %mul3A_1086 : i32 to vector<16xi32>
    %mul3A_1088 = arith.muli %gather3A_1085, %mul3A_1087 : vector<16xi32>
    %add3A_1089 = arith.addi %mul3A_1088, %rem3A_1084 : vector<16xi32>
    %gather3A_1090 = tpu.vector_load_idx %arg9[%add3A_1089] : memref<96xf32, #tpu.memory_space<vmem>>[vector<16xi32>], vector<16xf32>,
    %swap3A_1091 = arith.constant 832 : index
    %swap3A_1092 = tpu.vector_load %arg10[%swap3A_1091] {strides = array<i32>} : memref<1152xf32, #tpu.memory_space<vmem>>, vector<16xf32>,
    tpu.vector_store %arg10[%swap3A_1091], %gather3A_1090 {strides = array<i32>} : memref<1152xf32, #tpu.memory_space<vmem>>, vector<16xf32>,
    %iota3A_1093 = tpu.iota {dimensions = array<i32: 0>} : vector<16xi32>
    %add3A_1094 = arith.constant 848 : i32
    %add3A_1095 = vector.broadcast %add3A_1094 : i32 to vector<16xi32>
    %add3A_1096 = arith.addi %iota3A_1093, %add3A_1095 : vector<16xi32>
    %div3A_1097 = arith.constant 9 : i32
    %div3A_1098 = vector.broadcast %div3A_1097 : i32 to vector<16xi32>
    %div3A_1099 = arith.divsi %add3A_1096, %div3A_1098 : vector<16xi32>
    %rem3A_1100 = arith.constant 9 : i32
    %rem3A_1101 = vector.broadcast %rem3A_1100 : i32 to vector<16xi32>
    %rem3A_1102 = arith.remsi %add3A_1096, %rem3A_1101 : vector<16xi32>
    %gather3A_1103 = tpu.vector_load_idx %arg6[%div3A_1099] : memref<128xi32, #tpu.memory_space<vmem>>[vector<16xi32>], vector<16xi32>,
    %mul3A_1104 = arith.constant 9 : i32
    %mul3A_1105 = vector.broadcast %mul3A_1104 : i32 to vector<16xi32>
    %mul3A_1106 = arith.muli %gather3A_1103, %mul3A_1105 : vector<16xi32>
    %add3A_1107 = arith.addi %mul3A_1106, %rem3A_1102 : vector<16xi32>
    %gather3A_1108 = tpu.vector_load_idx %arg9[%add3A_1107] : memref<96xf32, #tpu.memory_space<vmem>>[vector<16xi32>], vector<16xf32>,
    %swap3A_1109 = arith.constant 848 : index
    %swap3A_1110 = tpu.vector_load %arg10[%swap3A_1109] {strides = array<i32>} : memref<1152xf32, #tpu.memory_space<vmem>>, vector<16xf32>,
    tpu.vector_store %arg10[%swap3A_1109], %gather3A_1108 {strides = array<i32>} : memref<1152xf32, #tpu.memory_space<vmem>>, vector<16xf32>,
    %iota3A_1111 = tpu.iota {dimensions = array<i32: 0>} : vector<16xi32>
    %add3A_1112 = arith.constant 864 : i32
    %add3A_1113 = vector.broadcast %add3A_1112 : i32 to vector<16xi32>
    %add3A_1114 = arith.addi %iota3A_1111, %add3A_1113 : vector<16xi32>
    %div3A_1115 = arith.constant 9 : i32
    %div3A_1116 = vector.broadcast %div3A_1115 : i32 to vector<16xi32>
    %div3A_1117 = arith.divsi %add3A_1114, %div3A_1116 : vector<16xi32>
    %rem3A_1118 = arith.constant 9 : i32
    %rem3A_1119 = vector.broadcast %rem3A_1118 : i32 to vector<16xi32>
    %rem3A_1120 = arith.remsi %add3A_1114, %rem3A_1119 : vector<16xi32>
    %gather3A_1121 = tpu.vector_load_idx %arg6[%div3A_1117] : memref<128xi32, #tpu.memory_space<vmem>>[vector<16xi32>], vector<16xi32>,
    %mul3A_1122 = arith.constant 9 : i32
    %mul3A_1123 = vector.broadcast %mul3A_1122 : i32 to vector<16xi32>
    %mul3A_1124 = arith.muli %gather3A_1121, %mul3A_1123 : vector<16xi32>
    %add3A_1125 = arith.addi %mul3A_1124, %rem3A_1120 : vector<16xi32>
    %gather3A_1126 = tpu.vector_load_idx %arg9[%add3A_1125] : memref<96xf32, #tpu.memory_space<vmem>>[vector<16xi32>], vector<16xf32>,
    %swap3A_1127 = arith.constant 864 : index
    %swap3A_1128 = tpu.vector_load %arg10[%swap3A_1127] {strides = array<i32>} : memref<1152xf32, #tpu.memory_space<vmem>>, vector<16xf32>,
    tpu.vector_store %arg10[%swap3A_1127], %gather3A_1126 {strides = array<i32>} : memref<1152xf32, #tpu.memory_space<vmem>>, vector<16xf32>,
    %iota3A_1129 = tpu.iota {dimensions = array<i32: 0>} : vector<16xi32>
    %add3A_1130 = arith.constant 880 : i32
    %add3A_1131 = vector.broadcast %add3A_1130 : i32 to vector<16xi32>
    %add3A_1132 = arith.addi %iota3A_1129, %add3A_1131 : vector<16xi32>
    %div3A_1133 = arith.constant 9 : i32
    %div3A_1134 = vector.broadcast %div3A_1133 : i32 to vector<16xi32>
    %div3A_1135 = arith.divsi %add3A_1132, %div3A_1134 : vector<16xi32>
    %rem3A_1136 = arith.constant 9 : i32
    %rem3A_1137 = vector.broadcast %rem3A_1136 : i32 to vector<16xi32>
    %rem3A_1138 = arith.remsi %add3A_1132, %rem3A_1137 : vector<16xi32>
    %gather3A_1139 = tpu.vector_load_idx %arg6[%div3A_1135] : memref<128xi32, #tpu.memory_space<vmem>>[vector<16xi32>], vector<16xi32>,
    %mul3A_1140 = arith.constant 9 : i32
    %mul3A_1141 = vector.broadcast %mul3A_1140 : i32 to vector<16xi32>
    %mul3A_1142 = arith.muli %gather3A_1139, %mul3A_1141 : vector<16xi32>
    %add3A_1143 = arith.addi %mul3A_1142, %rem3A_1138 : vector<16xi32>
    %gather3A_1144 = tpu.vector_load_idx %arg9[%add3A_1143] : memref<96xf32, #tpu.memory_space<vmem>>[vector<16xi32>], vector<16xf32>,
    %swap3A_1145 = arith.constant 880 : index
    %swap3A_1146 = tpu.vector_load %arg10[%swap3A_1145] {strides = array<i32>} : memref<1152xf32, #tpu.memory_space<vmem>>, vector<16xf32>,
    tpu.vector_store %arg10[%swap3A_1145], %gather3A_1144 {strides = array<i32>} : memref<1152xf32, #tpu.memory_space<vmem>>, vector<16xf32>,
    %iota3A_1147 = tpu.iota {dimensions = array<i32: 0>} : vector<16xi32>
    %add3A_1148 = arith.constant 896 : i32
    %add3A_1149 = vector.broadcast %add3A_1148 : i32 to vector<16xi32>
    %add3A_1150 = arith.addi %iota3A_1147, %add3A_1149 : vector<16xi32>
    %div3A_1151 = arith.constant 9 : i32
    %div3A_1152 = vector.broadcast %div3A_1151 : i32 to vector<16xi32>
    %div3A_1153 = arith.divsi %add3A_1150, %div3A_1152 : vector<16xi32>
    %rem3A_1154 = arith.constant 9 : i32
    %rem3A_1155 = vector.broadcast %rem3A_1154 : i32 to vector<16xi32>
    %rem3A_1156 = arith.remsi %add3A_1150, %rem3A_1155 : vector<16xi32>
    %gather3A_1157 = tpu.vector_load_idx %arg6[%div3A_1153] : memref<128xi32, #tpu.memory_space<vmem>>[vector<16xi32>], vector<16xi32>,
    %mul3A_1158 = arith.constant 9 : i32
    %mul3A_1159 = vector.broadcast %mul3A_1158 : i32 to vector<16xi32>
    %mul3A_1160 = arith.muli %gather3A_1157, %mul3A_1159 : vector<16xi32>
    %add3A_1161 = arith.addi %mul3A_1160, %rem3A_1156 : vector<16xi32>
    %gather3A_1162 = tpu.vector_load_idx %arg9[%add3A_1161] : memref<96xf32, #tpu.memory_space<vmem>>[vector<16xi32>], vector<16xf32>,
    %swap3A_1163 = arith.constant 896 : index
    %swap3A_1164 = tpu.vector_load %arg10[%swap3A_1163] {strides = array<i32>} : memref<1152xf32, #tpu.memory_space<vmem>>, vector<16xf32>,
    tpu.vector_store %arg10[%swap3A_1163], %gather3A_1162 {strides = array<i32>} : memref<1152xf32, #tpu.memory_space<vmem>>, vector<16xf32>,
    %iota3A_1165 = tpu.iota {dimensions = array<i32: 0>} : vector<16xi32>
    %add3A_1166 = arith.constant 912 : i32
    %add3A_1167 = vector.broadcast %add3A_1166 : i32 to vector<16xi32>
    %add3A_1168 = arith.addi %iota3A_1165, %add3A_1167 : vector<16xi32>
    %div3A_1169 = arith.constant 9 : i32
    %div3A_1170 = vector.broadcast %div3A_1169 : i32 to vector<16xi32>
    %div3A_1171 = arith.divsi %add3A_1168, %div3A_1170 : vector<16xi32>
    %rem3A_1172 = arith.constant 9 : i32
    %rem3A_1173 = vector.broadcast %rem3A_1172 : i32 to vector<16xi32>
    %rem3A_1174 = arith.remsi %add3A_1168, %rem3A_1173 : vector<16xi32>
    %gather3A_1175 = tpu.vector_load_idx %arg6[%div3A_1171] : memref<128xi32, #tpu.memory_space<vmem>>[vector<16xi32>], vector<16xi32>,
    %mul3A_1176 = arith.constant 9 : i32
    %mul3A_1177 = vector.broadcast %mul3A_1176 : i32 to vector<16xi32>
    %mul3A_1178 = arith.muli %gather3A_1175, %mul3A_1177 : vector<16xi32>
    %add3A_1179 = arith.addi %mul3A_1178, %rem3A_1174 : vector<16xi32>
    %gather3A_1180 = tpu.vector_load_idx %arg9[%add3A_1179] : memref<96xf32, #tpu.memory_space<vmem>>[vector<16xi32>], vector<16xf32>,
    %swap3A_1181 = arith.constant 912 : index
    %swap3A_1182 = tpu.vector_load %arg10[%swap3A_1181] {strides = array<i32>} : memref<1152xf32, #tpu.memory_space<vmem>>, vector<16xf32>,
    tpu.vector_store %arg10[%swap3A_1181], %gather3A_1180 {strides = array<i32>} : memref<1152xf32, #tpu.memory_space<vmem>>, vector<16xf32>,
    %iota3A_1183 = tpu.iota {dimensions = array<i32: 0>} : vector<16xi32>
    %add3A_1184 = arith.constant 928 : i32
    %add3A_1185 = vector.broadcast %add3A_1184 : i32 to vector<16xi32>
    %add3A_1186 = arith.addi %iota3A_1183, %add3A_1185 : vector<16xi32>
    %div3A_1187 = arith.constant 9 : i32
    %div3A_1188 = vector.broadcast %div3A_1187 : i32 to vector<16xi32>
    %div3A_1189 = arith.divsi %add3A_1186, %div3A_1188 : vector<16xi32>
    %rem3A_1190 = arith.constant 9 : i32
    %rem3A_1191 = vector.broadcast %rem3A_1190 : i32 to vector<16xi32>
    %rem3A_1192 = arith.remsi %add3A_1186, %rem3A_1191 : vector<16xi32>
    %gather3A_1193 = tpu.vector_load_idx %arg6[%div3A_1189] : memref<128xi32, #tpu.memory_space<vmem>>[vector<16xi32>], vector<16xi32>,
    %mul3A_1194 = arith.constant 9 : i32
    %mul3A_1195 = vector.broadcast %mul3A_1194 : i32 to vector<16xi32>
    %mul3A_1196 = arith.muli %gather3A_1193, %mul3A_1195 : vector<16xi32>
    %add3A_1197 = arith.addi %mul3A_1196, %rem3A_1192 : vector<16xi32>
    %gather3A_1198 = tpu.vector_load_idx %arg9[%add3A_1197] : memref<96xf32, #tpu.memory_space<vmem>>[vector<16xi32>], vector<16xf32>,
    %swap3A_1199 = arith.constant 928 : index
    %swap3A_1200 = tpu.vector_load %arg10[%swap3A_1199] {strides = array<i32>} : memref<1152xf32, #tpu.memory_space<vmem>>, vector<16xf32>,
    tpu.vector_store %arg10[%swap3A_1199], %gather3A_1198 {strides = array<i32>} : memref<1152xf32, #tpu.memory_space<vmem>>, vector<16xf32>,
    %iota3A_1201 = tpu.iota {dimensions = array<i32: 0>} : vector<16xi32>
    %add3A_1202 = arith.constant 944 : i32
    %add3A_1203 = vector.broadcast %add3A_1202 : i32 to vector<16xi32>
    %add3A_1204 = arith.addi %iota3A_1201, %add3A_1203 : vector<16xi32>
    %div3A_1205 = arith.constant 9 : i32
    %div3A_1206 = vector.broadcast %div3A_1205 : i32 to vector<16xi32>
    %div3A_1207 = arith.divsi %add3A_1204, %div3A_1206 : vector<16xi32>
    %rem3A_1208 = arith.constant 9 : i32
    %rem3A_1209 = vector.broadcast %rem3A_1208 : i32 to vector<16xi32>
    %rem3A_1210 = arith.remsi %add3A_1204, %rem3A_1209 : vector<16xi32>
    %gather3A_1211 = tpu.vector_load_idx %arg6[%div3A_1207] : memref<128xi32, #tpu.memory_space<vmem>>[vector<16xi32>], vector<16xi32>,
    %mul3A_1212 = arith.constant 9 : i32
    %mul3A_1213 = vector.broadcast %mul3A_1212 : i32 to vector<16xi32>
    %mul3A_1214 = arith.muli %gather3A_1211, %mul3A_1213 : vector<16xi32>
    %add3A_1215 = arith.addi %mul3A_1214, %rem3A_1210 : vector<16xi32>
    %gather3A_1216 = tpu.vector_load_idx %arg9[%add3A_1215] : memref<96xf32, #tpu.memory_space<vmem>>[vector<16xi32>], vector<16xf32>,
    %swap3A_1217 = arith.constant 944 : index
    %swap3A_1218 = tpu.vector_load %arg10[%swap3A_1217] {strides = array<i32>} : memref<1152xf32, #tpu.memory_space<vmem>>, vector<16xf32>,
    tpu.vector_store %arg10[%swap3A_1217], %gather3A_1216 {strides = array<i32>} : memref<1152xf32, #tpu.memory_space<vmem>>, vector<16xf32>,
    %iota3A_1219 = tpu.iota {dimensions = array<i32: 0>} : vector<16xi32>
    %add3A_1220 = arith.constant 960 : i32
    %add3A_1221 = vector.broadcast %add3A_1220 : i32 to vector<16xi32>
    %add3A_1222 = arith.addi %iota3A_1219, %add3A_1221 : vector<16xi32>
    %div3A_1223 = arith.constant 9 : i32
    %div3A_1224 = vector.broadcast %div3A_1223 : i32 to vector<16xi32>
    %div3A_1225 = arith.divsi %add3A_1222, %div3A_1224 : vector<16xi32>
    %rem3A_1226 = arith.constant 9 : i32
    %rem3A_1227 = vector.broadcast %rem3A_1226 : i32 to vector<16xi32>
    %rem3A_1228 = arith.remsi %add3A_1222, %rem3A_1227 : vector<16xi32>
    %gather3A_1229 = tpu.vector_load_idx %arg6[%div3A_1225] : memref<128xi32, #tpu.memory_space<vmem>>[vector<16xi32>], vector<16xi32>,
    %mul3A_1230 = arith.constant 9 : i32
    %mul3A_1231 = vector.broadcast %mul3A_1230 : i32 to vector<16xi32>
    %mul3A_1232 = arith.muli %gather3A_1229, %mul3A_1231 : vector<16xi32>
    %add3A_1233 = arith.addi %mul3A_1232, %rem3A_1228 : vector<16xi32>
    %gather3A_1234 = tpu.vector_load_idx %arg9[%add3A_1233] : memref<96xf32, #tpu.memory_space<vmem>>[vector<16xi32>], vector<16xf32>,
    %swap3A_1235 = arith.constant 960 : index
    %swap3A_1236 = tpu.vector_load %arg10[%swap3A_1235] {strides = array<i32>} : memref<1152xf32, #tpu.memory_space<vmem>>, vector<16xf32>,
    tpu.vector_store %arg10[%swap3A_1235], %gather3A_1234 {strides = array<i32>} : memref<1152xf32, #tpu.memory_space<vmem>>, vector<16xf32>,
    %iota3A_1237 = tpu.iota {dimensions = array<i32: 0>} : vector<16xi32>
    %add3A_1238 = arith.constant 976 : i32
    %add3A_1239 = vector.broadcast %add3A_1238 : i32 to vector<16xi32>
    %add3A_1240 = arith.addi %iota3A_1237, %add3A_1239 : vector<16xi32>
    %div3A_1241 = arith.constant 9 : i32
    %div3A_1242 = vector.broadcast %div3A_1241 : i32 to vector<16xi32>
    %div3A_1243 = arith.divsi %add3A_1240, %div3A_1242 : vector<16xi32>
    %rem3A_1244 = arith.constant 9 : i32
    %rem3A_1245 = vector.broadcast %rem3A_1244 : i32 to vector<16xi32>
    %rem3A_1246 = arith.remsi %add3A_1240, %rem3A_1245 : vector<16xi32>
    %gather3A_1247 = tpu.vector_load_idx %arg6[%div3A_1243] : memref<128xi32, #tpu.memory_space<vmem>>[vector<16xi32>], vector<16xi32>,
    %mul3A_1248 = arith.constant 9 : i32
    %mul3A_1249 = vector.broadcast %mul3A_1248 : i32 to vector<16xi32>
    %mul3A_1250 = arith.muli %gather3A_1247, %mul3A_1249 : vector<16xi32>
    %add3A_1251 = arith.addi %mul3A_1250, %rem3A_1246 : vector<16xi32>
    %gather3A_1252 = tpu.vector_load_idx %arg9[%add3A_1251] : memref<96xf32, #tpu.memory_space<vmem>>[vector<16xi32>], vector<16xf32>,
    %swap3A_1253 = arith.constant 976 : index
    %swap3A_1254 = tpu.vector_load %arg10[%swap3A_1253] {strides = array<i32>} : memref<1152xf32, #tpu.memory_space<vmem>>, vector<16xf32>,
    tpu.vector_store %arg10[%swap3A_1253], %gather3A_1252 {strides = array<i32>} : memref<1152xf32, #tpu.memory_space<vmem>>, vector<16xf32>,
    %iota3A_1255 = tpu.iota {dimensions = array<i32: 0>} : vector<16xi32>
    %add3A_1256 = arith.constant 992 : i32
    %add3A_1257 = vector.broadcast %add3A_1256 : i32 to vector<16xi32>
    %add3A_1258 = arith.addi %iota3A_1255, %add3A_1257 : vector<16xi32>
    %div3A_1259 = arith.constant 9 : i32
    %div3A_1260 = vector.broadcast %div3A_1259 : i32 to vector<16xi32>
    %div3A_1261 = arith.divsi %add3A_1258, %div3A_1260 : vector<16xi32>
    %rem3A_1262 = arith.constant 9 : i32
    %rem3A_1263 = vector.broadcast %rem3A_1262 : i32 to vector<16xi32>
    %rem3A_1264 = arith.remsi %add3A_1258, %rem3A_1263 : vector<16xi32>
    %gather3A_1265 = tpu.vector_load_idx %arg6[%div3A_1261] : memref<128xi32, #tpu.memory_space<vmem>>[vector<16xi32>], vector<16xi32>,
    %mul3A_1266 = arith.constant 9 : i32
    %mul3A_1267 = vector.broadcast %mul3A_1266 : i32 to vector<16xi32>
    %mul3A_1268 = arith.muli %gather3A_1265, %mul3A_1267 : vector<16xi32>
    %add3A_1269 = arith.addi %mul3A_1268, %rem3A_1264 : vector<16xi32>
    %gather3A_1270 = tpu.vector_load_idx %arg9[%add3A_1269] : memref<96xf32, #tpu.memory_space<vmem>>[vector<16xi32>], vector<16xf32>,
    %swap3A_1271 = arith.constant 992 : index
    %swap3A_1272 = tpu.vector_load %arg10[%swap3A_1271] {strides = array<i32>} : memref<1152xf32, #tpu.memory_space<vmem>>, vector<16xf32>,
    tpu.vector_store %arg10[%swap3A_1271], %gather3A_1270 {strides = array<i32>} : memref<1152xf32, #tpu.memory_space<vmem>>, vector<16xf32>,
    %iota3A_1273 = tpu.iota {dimensions = array<i32: 0>} : vector<16xi32>
    %add3A_1274 = arith.constant 1008 : i32
    %add3A_1275 = vector.broadcast %add3A_1274 : i32 to vector<16xi32>
    %add3A_1276 = arith.addi %iota3A_1273, %add3A_1275 : vector<16xi32>
    %div3A_1277 = arith.constant 9 : i32
    %div3A_1278 = vector.broadcast %div3A_1277 : i32 to vector<16xi32>
    %div3A_1279 = arith.divsi %add3A_1276, %div3A_1278 : vector<16xi32>
    %rem3A_1280 = arith.constant 9 : i32
    %rem3A_1281 = vector.broadcast %rem3A_1280 : i32 to vector<16xi32>
    %rem3A_1282 = arith.remsi %add3A_1276, %rem3A_1281 : vector<16xi32>
    %gather3A_1283 = tpu.vector_load_idx %arg6[%div3A_1279] : memref<128xi32, #tpu.memory_space<vmem>>[vector<16xi32>], vector<16xi32>,
    %mul3A_1284 = arith.constant 9 : i32
    %mul3A_1285 = vector.broadcast %mul3A_1284 : i32 to vector<16xi32>
    %mul3A_1286 = arith.muli %gather3A_1283, %mul3A_1285 : vector<16xi32>
    %add3A_1287 = arith.addi %mul3A_1286, %rem3A_1282 : vector<16xi32>
    %gather3A_1288 = tpu.vector_load_idx %arg9[%add3A_1287] : memref<96xf32, #tpu.memory_space<vmem>>[vector<16xi32>], vector<16xf32>,
    %swap3A_1289 = arith.constant 1008 : index
    %swap3A_1290 = tpu.vector_load %arg10[%swap3A_1289] {strides = array<i32>} : memref<1152xf32, #tpu.memory_space<vmem>>, vector<16xf32>,
    tpu.vector_store %arg10[%swap3A_1289], %gather3A_1288 {strides = array<i32>} : memref<1152xf32, #tpu.memory_space<vmem>>, vector<16xf32>,
    %iota3A_1291 = tpu.iota {dimensions = array<i32: 0>} : vector<16xi32>
    %add3A_1292 = arith.constant 1024 : i32
    %add3A_1293 = vector.broadcast %add3A_1292 : i32 to vector<16xi32>
    %add3A_1294 = arith.addi %iota3A_1291, %add3A_1293 : vector<16xi32>
    %div3A_1295 = arith.constant 9 : i32
    %div3A_1296 = vector.broadcast %div3A_1295 : i32 to vector<16xi32>
    %div3A_1297 = arith.divsi %add3A_1294, %div3A_1296 : vector<16xi32>
    %rem3A_1298 = arith.constant 9 : i32
    %rem3A_1299 = vector.broadcast %rem3A_1298 : i32 to vector<16xi32>
    %rem3A_1300 = arith.remsi %add3A_1294, %rem3A_1299 : vector<16xi32>
    %gather3A_1301 = tpu.vector_load_idx %arg6[%div3A_1297] : memref<128xi32, #tpu.memory_space<vmem>>[vector<16xi32>], vector<16xi32>,
    %mul3A_1302 = arith.constant 9 : i32
    %mul3A_1303 = vector.broadcast %mul3A_1302 : i32 to vector<16xi32>
    %mul3A_1304 = arith.muli %gather3A_1301, %mul3A_1303 : vector<16xi32>
    %add3A_1305 = arith.addi %mul3A_1304, %rem3A_1300 : vector<16xi32>
    %gather3A_1306 = tpu.vector_load_idx %arg9[%add3A_1305] : memref<96xf32, #tpu.memory_space<vmem>>[vector<16xi32>], vector<16xf32>,
    %swap3A_1307 = arith.constant 1024 : index
    %swap3A_1308 = tpu.vector_load %arg10[%swap3A_1307] {strides = array<i32>} : memref<1152xf32, #tpu.memory_space<vmem>>, vector<16xf32>,
    tpu.vector_store %arg10[%swap3A_1307], %gather3A_1306 {strides = array<i32>} : memref<1152xf32, #tpu.memory_space<vmem>>, vector<16xf32>,
    %iota3A_1309 = tpu.iota {dimensions = array<i32: 0>} : vector<16xi32>
    %add3A_1310 = arith.constant 1040 : i32
    %add3A_1311 = vector.broadcast %add3A_1310 : i32 to vector<16xi32>
    %add3A_1312 = arith.addi %iota3A_1309, %add3A_1311 : vector<16xi32>
    %div3A_1313 = arith.constant 9 : i32
    %div3A_1314 = vector.broadcast %div3A_1313 : i32 to vector<16xi32>
    %div3A_1315 = arith.divsi %add3A_1312, %div3A_1314 : vector<16xi32>
    %rem3A_1316 = arith.constant 9 : i32
    %rem3A_1317 = vector.broadcast %rem3A_1316 : i32 to vector<16xi32>
    %rem3A_1318 = arith.remsi %add3A_1312, %rem3A_1317 : vector<16xi32>
    %gather3A_1319 = tpu.vector_load_idx %arg6[%div3A_1315] : memref<128xi32, #tpu.memory_space<vmem>>[vector<16xi32>], vector<16xi32>,
    %mul3A_1320 = arith.constant 9 : i32
    %mul3A_1321 = vector.broadcast %mul3A_1320 : i32 to vector<16xi32>
    %mul3A_1322 = arith.muli %gather3A_1319, %mul3A_1321 : vector<16xi32>
    %add3A_1323 = arith.addi %mul3A_1322, %rem3A_1318 : vector<16xi32>
    %gather3A_1324 = tpu.vector_load_idx %arg9[%add3A_1323] : memref<96xf32, #tpu.memory_space<vmem>>[vector<16xi32>], vector<16xf32>,
    %swap3A_1325 = arith.constant 1040 : index
    %swap3A_1326 = tpu.vector_load %arg10[%swap3A_1325] {strides = array<i32>} : memref<1152xf32, #tpu.memory_space<vmem>>, vector<16xf32>,
    tpu.vector_store %arg10[%swap3A_1325], %gather3A_1324 {strides = array<i32>} : memref<1152xf32, #tpu.memory_space<vmem>>, vector<16xf32>,
    %iota3A_1327 = tpu.iota {dimensions = array<i32: 0>} : vector<16xi32>
    %add3A_1328 = arith.constant 1056 : i32
    %add3A_1329 = vector.broadcast %add3A_1328 : i32 to vector<16xi32>
    %add3A_1330 = arith.addi %iota3A_1327, %add3A_1329 : vector<16xi32>
    %div3A_1331 = arith.constant 9 : i32
    %div3A_1332 = vector.broadcast %div3A_1331 : i32 to vector<16xi32>
    %div3A_1333 = arith.divsi %add3A_1330, %div3A_1332 : vector<16xi32>
    %rem3A_1334 = arith.constant 9 : i32
    %rem3A_1335 = vector.broadcast %rem3A_1334 : i32 to vector<16xi32>
    %rem3A_1336 = arith.remsi %add3A_1330, %rem3A_1335 : vector<16xi32>
    %gather3A_1337 = tpu.vector_load_idx %arg6[%div3A_1333] : memref<128xi32, #tpu.memory_space<vmem>>[vector<16xi32>], vector<16xi32>,
    %mul3A_1338 = arith.constant 9 : i32
    %mul3A_1339 = vector.broadcast %mul3A_1338 : i32 to vector<16xi32>
    %mul3A_1340 = arith.muli %gather3A_1337, %mul3A_1339 : vector<16xi32>
    %add3A_1341 = arith.addi %mul3A_1340, %rem3A_1336 : vector<16xi32>
    %gather3A_1342 = tpu.vector_load_idx %arg9[%add3A_1341] : memref<96xf32, #tpu.memory_space<vmem>>[vector<16xi32>], vector<16xf32>,
    %swap3A_1343 = arith.constant 1056 : index
    %swap3A_1344 = tpu.vector_load %arg10[%swap3A_1343] {strides = array<i32>} : memref<1152xf32, #tpu.memory_space<vmem>>, vector<16xf32>,
    tpu.vector_store %arg10[%swap3A_1343], %gather3A_1342 {strides = array<i32>} : memref<1152xf32, #tpu.memory_space<vmem>>, vector<16xf32>,
    %iota3A_1345 = tpu.iota {dimensions = array<i32: 0>} : vector<16xi32>
    %add3A_1346 = arith.constant 1072 : i32
    %add3A_1347 = vector.broadcast %add3A_1346 : i32 to vector<16xi32>
    %add3A_1348 = arith.addi %iota3A_1345, %add3A_1347 : vector<16xi32>
    %div3A_1349 = arith.constant 9 : i32
    %div3A_1350 = vector.broadcast %div3A_1349 : i32 to vector<16xi32>
    %div3A_1351 = arith.divsi %add3A_1348, %div3A_1350 : vector<16xi32>
    %rem3A_1352 = arith.constant 9 : i32
    %rem3A_1353 = vector.broadcast %rem3A_1352 : i32 to vector<16xi32>
    %rem3A_1354 = arith.remsi %add3A_1348, %rem3A_1353 : vector<16xi32>
    %gather3A_1355 = tpu.vector_load_idx %arg6[%div3A_1351] : memref<128xi32, #tpu.memory_space<vmem>>[vector<16xi32>], vector<16xi32>,
    %mul3A_1356 = arith.constant 9 : i32
    %mul3A_1357 = vector.broadcast %mul3A_1356 : i32 to vector<16xi32>
    %mul3A_1358 = arith.muli %gather3A_1355, %mul3A_1357 : vector<16xi32>
    %add3A_1359 = arith.addi %mul3A_1358, %rem3A_1354 : vector<16xi32>
    %gather3A_1360 = tpu.vector_load_idx %arg9[%add3A_1359] : memref<96xf32, #tpu.memory_space<vmem>>[vector<16xi32>], vector<16xf32>,
    %swap3A_1361 = arith.constant 1072 : index
    %swap3A_1362 = tpu.vector_load %arg10[%swap3A_1361] {strides = array<i32>} : memref<1152xf32, #tpu.memory_space<vmem>>, vector<16xf32>,
    tpu.vector_store %arg10[%swap3A_1361], %gather3A_1360 {strides = array<i32>} : memref<1152xf32, #tpu.memory_space<vmem>>, vector<16xf32>,
    %iota3A_1363 = tpu.iota {dimensions = array<i32: 0>} : vector<16xi32>
    %add3A_1364 = arith.constant 1088 : i32
    %add3A_1365 = vector.broadcast %add3A_1364 : i32 to vector<16xi32>
    %add3A_1366 = arith.addi %iota3A_1363, %add3A_1365 : vector<16xi32>
    %div3A_1367 = arith.constant 9 : i32
    %div3A_1368 = vector.broadcast %div3A_1367 : i32 to vector<16xi32>
    %div3A_1369 = arith.divsi %add3A_1366, %div3A_1368 : vector<16xi32>
    %rem3A_1370 = arith.constant 9 : i32
    %rem3A_1371 = vector.broadcast %rem3A_1370 : i32 to vector<16xi32>
    %rem3A_1372 = arith.remsi %add3A_1366, %rem3A_1371 : vector<16xi32>
    %gather3A_1373 = tpu.vector_load_idx %arg6[%div3A_1369] : memref<128xi32, #tpu.memory_space<vmem>>[vector<16xi32>], vector<16xi32>,
    %mul3A_1374 = arith.constant 9 : i32
    %mul3A_1375 = vector.broadcast %mul3A_1374 : i32 to vector<16xi32>
    %mul3A_1376 = arith.muli %gather3A_1373, %mul3A_1375 : vector<16xi32>
    %add3A_1377 = arith.addi %mul3A_1376, %rem3A_1372 : vector<16xi32>
    %gather3A_1378 = tpu.vector_load_idx %arg9[%add3A_1377] : memref<96xf32, #tpu.memory_space<vmem>>[vector<16xi32>], vector<16xf32>,
    %swap3A_1379 = arith.constant 1088 : index
    %swap3A_1380 = tpu.vector_load %arg10[%swap3A_1379] {strides = array<i32>} : memref<1152xf32, #tpu.memory_space<vmem>>, vector<16xf32>,
    tpu.vector_store %arg10[%swap3A_1379], %gather3A_1378 {strides = array<i32>} : memref<1152xf32, #tpu.memory_space<vmem>>, vector<16xf32>,
    %iota3A_1381 = tpu.iota {dimensions = array<i32: 0>} : vector<16xi32>
    %add3A_1382 = arith.constant 1104 : i32
    %add3A_1383 = vector.broadcast %add3A_1382 : i32 to vector<16xi32>
    %add3A_1384 = arith.addi %iota3A_1381, %add3A_1383 : vector<16xi32>
    %div3A_1385 = arith.constant 9 : i32
    %div3A_1386 = vector.broadcast %div3A_1385 : i32 to vector<16xi32>
    %div3A_1387 = arith.divsi %add3A_1384, %div3A_1386 : vector<16xi32>
    %rem3A_1388 = arith.constant 9 : i32
    %rem3A_1389 = vector.broadcast %rem3A_1388 : i32 to vector<16xi32>
    %rem3A_1390 = arith.remsi %add3A_1384, %rem3A_1389 : vector<16xi32>
    %gather3A_1391 = tpu.vector_load_idx %arg6[%div3A_1387] : memref<128xi32, #tpu.memory_space<vmem>>[vector<16xi32>], vector<16xi32>,
    %mul3A_1392 = arith.constant 9 : i32
    %mul3A_1393 = vector.broadcast %mul3A_1392 : i32 to vector<16xi32>
    %mul3A_1394 = arith.muli %gather3A_1391, %mul3A_1393 : vector<16xi32>
    %add3A_1395 = arith.addi %mul3A_1394, %rem3A_1390 : vector<16xi32>
    %gather3A_1396 = tpu.vector_load_idx %arg9[%add3A_1395] : memref<96xf32, #tpu.memory_space<vmem>>[vector<16xi32>], vector<16xf32>,
    %swap3A_1397 = arith.constant 1104 : index
    %swap3A_1398 = tpu.vector_load %arg10[%swap3A_1397] {strides = array<i32>} : memref<1152xf32, #tpu.memory_space<vmem>>, vector<16xf32>,
    tpu.vector_store %arg10[%swap3A_1397], %gather3A_1396 {strides = array<i32>} : memref<1152xf32, #tpu.memory_space<vmem>>, vector<16xf32>,
    %iota3A_1399 = tpu.iota {dimensions = array<i32: 0>} : vector<16xi32>
    %add3A_1400 = arith.constant 1120 : i32
    %add3A_1401 = vector.broadcast %add3A_1400 : i32 to vector<16xi32>
    %add3A_1402 = arith.addi %iota3A_1399, %add3A_1401 : vector<16xi32>
    %div3A_1403 = arith.constant 9 : i32
    %div3A_1404 = vector.broadcast %div3A_1403 : i32 to vector<16xi32>
    %div3A_1405 = arith.divsi %add3A_1402, %div3A_1404 : vector<16xi32>
    %rem3A_1406 = arith.constant 9 : i32
    %rem3A_1407 = vector.broadcast %rem3A_1406 : i32 to vector<16xi32>
    %rem3A_1408 = arith.remsi %add3A_1402, %rem3A_1407 : vector<16xi32>
    %gather3A_1409 = tpu.vector_load_idx %arg6[%div3A_1405] : memref<128xi32, #tpu.memory_space<vmem>>[vector<16xi32>], vector<16xi32>,
    %mul3A_1410 = arith.constant 9 : i32
    %mul3A_1411 = vector.broadcast %mul3A_1410 : i32 to vector<16xi32>
    %mul3A_1412 = arith.muli %gather3A_1409, %mul3A_1411 : vector<16xi32>
    %add3A_1413 = arith.addi %mul3A_1412, %rem3A_1408 : vector<16xi32>
    %gather3A_1414 = tpu.vector_load_idx %arg9[%add3A_1413] : memref<96xf32, #tpu.memory_space<vmem>>[vector<16xi32>], vector<16xf32>,
    %swap3A_1415 = arith.constant 1120 : index
    %swap3A_1416 = tpu.vector_load %arg10[%swap3A_1415] {strides = array<i32>} : memref<1152xf32, #tpu.memory_space<vmem>>, vector<16xf32>,
    tpu.vector_store %arg10[%swap3A_1415], %gather3A_1414 {strides = array<i32>} : memref<1152xf32, #tpu.memory_space<vmem>>, vector<16xf32>,
    %iota3A_1417 = tpu.iota {dimensions = array<i32: 0>} : vector<16xi32>
    %add3A_1418 = arith.constant 1136 : i32
    %add3A_1419 = vector.broadcast %add3A_1418 : i32 to vector<16xi32>
    %add3A_1420 = arith.addi %iota3A_1417, %add3A_1419 : vector<16xi32>
    %div3A_1421 = arith.constant 9 : i32
    %div3A_1422 = vector.broadcast %div3A_1421 : i32 to vector<16xi32>
    %div3A_1423 = arith.divsi %add3A_1420, %div3A_1422 : vector<16xi32>
    %rem3A_1424 = arith.constant 9 : i32
    %rem3A_1425 = vector.broadcast %rem3A_1424 : i32 to vector<16xi32>
    %rem3A_1426 = arith.remsi %add3A_1420, %rem3A_1425 : vector<16xi32>
    %gather3A_1427 = tpu.vector_load_idx %arg6[%div3A_1423] : memref<128xi32, #tpu.memory_space<vmem>>[vector<16xi32>], vector<16xi32>,
    %mul3A_1428 = arith.constant 9 : i32
    %mul3A_1429 = vector.broadcast %mul3A_1428 : i32 to vector<16xi32>
    %mul3A_1430 = arith.muli %gather3A_1427, %mul3A_1429 : vector<16xi32>
    %add3A_1431 = arith.addi %mul3A_1430, %rem3A_1426 : vector<16xi32>
    %gather3A_1432 = tpu.vector_load_idx %arg9[%add3A_1431] : memref<96xf32, #tpu.memory_space<vmem>>[vector<16xi32>], vector<16xf32>,
    %swap3A_1433 = arith.constant 1136 : index
    %swap3A_1434 = tpu.vector_load %arg10[%swap3A_1433] {strides = array<i32>} : memref<1152xf32, #tpu.memory_space<vmem>>, vector<16xf32>,
    tpu.vector_store %arg10[%swap3A_1433], %gather3A_1432 {strides = array<i32>} : memref<1152xf32, #tpu.memory_space<vmem>>, vector<16xf32>,
    "tpu.region"() ({
      %run_scoped3A = tpu.sem_alloc : memref<!tpu.dma_semaphore, #tpu.memory_space<semaphore_mem>>
      %dma_start3A_1435 = arith.constant 0 : i32
      %dma_start3A_1436 = tpu.memref_slice %arg5[%add3A, %dma_start3A_1435] : memref<32x1152xf32, #tpu.memory_space<hbm>> -> memref<1x1152xf32, #tpu.memory_space<hbm>>
      %dma_start3A_1437 = tpu.memref_squeeze %dma_start3A_1436 : memref<1x1152xf32, #tpu.memory_space<hbm>> -> memref<1152xf32, #tpu.memory_space<hbm>>
      %dma_start3A_1438 = arith.constant 0 : i32
      %dma_start3A_1439 = tpu.memref_slice %arg5[%add3A, %dma_start3A_1438] : memref<32x1152xf32, #tpu.memory_space<hbm>> -> memref<1x1152xf32, #tpu.memory_space<hbm>>
      %dma_start3A_1440 = tpu.memref_squeeze %dma_start3A_1439 : memref<1x1152xf32, #tpu.memory_space<hbm>> -> memref<1152xf32, #tpu.memory_space<hbm>>
      tpu.enqueue_dma source(%arg10 : memref<1152xf32, #tpu.memory_space<vmem>>) target(%dma_start3A_1440 : memref<1152xf32, #tpu.memory_space<hbm>>) target_semaphore(%run_scoped3A : memref<!tpu.dma_semaphore, #tpu.memory_space<semaphore_mem>>)
      %dma_wait3A_1441 = arith.constant 0 : i32
      %dma_wait3A_1442 = tpu.memref_slice %arg5[%add3A, %dma_wait3A_1441] : memref<32x1152xf32, #tpu.memory_space<hbm>> -> memref<1x1152xf32, #tpu.memory_space<hbm>>
      %dma_wait3A_1443 = tpu.memref_squeeze %dma_wait3A_1442 : memref<1x1152xf32, #tpu.memory_space<hbm>> -> memref<1152xf32, #tpu.memory_space<hbm>>
      %dma_wait3A_1444 = arith.constant 0 : i32
      %dma_wait3A_1445 = tpu.memref_slice %arg5[%add3A, %dma_wait3A_1444] : memref<32x1152xf32, #tpu.memory_space<hbm>> -> memref<1x1152xf32, #tpu.memory_space<hbm>>
      %dma_wait3A_1446 = tpu.memref_squeeze %dma_wait3A_1445 : memref<1x1152xf32, #tpu.memory_space<hbm>> -> memref<1152xf32, #tpu.memory_space<hbm>>
      tpu.wait_dma2 semaphore(%run_scoped3A : memref<!tpu.dma_semaphore, #tpu.memory_space<semaphore_mem>>) src(%arg10 : memref<1152xf32, #tpu.memory_space<vmem>>) dst(%dma_wait3A_1446 : memref<1152xf32, #tpu.memory_space<hbm>>)
      tpu.yield
    }) : () -> ()
    return
  }
}

module attributes {stable_mosaic.version = 14 : i64} {
  func.func @body(%arg0: i32, %arg1: memref<1x1x1152xf32, #tpu.memory_space<vmem>>, %arg2: memref<1x1152x1152xf32, #tpu.memory_space<vmem>>) attributes {dimension_semantics = [#tpu.dimension_semantics<arbitrary>], iteration_bounds = array<i64: 32>, scalar_prefetch = 0 : i64, scratch_operands = 0 : i64, tpu.core_type = #tpu.core_type<tc>, window_params = [{transform_indices = @transform_0, window_bounds = array<i64: 1, 1, 1152>}, {transform_indices = @transform_1, window_bounds = array<i64: 1, 1152, 1152>}]} {
    %iota3A = tpu.iota {dimensions = array<i32: 1>} : vector<1x1152x1152xi32>
    %iota3A_0 = tpu.iota {dimensions = array<i32: 2>} : vector<1x1152x1152xi32>
    %eq3A = arith.cmpi eq, %iota3A, %iota3A_0 : vector<1x1152x1152xi32>
    %get3A = arith.constant 0 : index
    %get3A_1 = arith.constant 0 : index
    %get3A_2 = arith.constant 0 : index
    %get3A_3 = vector.load %arg1[%get3A, %get3A_1, %get3A_2] : memref<1x1x1152xf32, #tpu.memory_space<vmem>>, vector<1x1x1152xf32>
    %jit3A = arith.constant 0.000000e+00 : f32
    %broadcast_in_dim3A = vector.shape_cast %get3A_3 : vector<1x1x1152xf32> to vector<1x1x1152xf32>
    %broadcast_in_dim3A_4 = vector.broadcast %broadcast_in_dim3A : vector<1x1x1152xf32> to vector<1x1152x1152xf32>
    %broadcast_in_dim3A_5 = vector.broadcast %jit3A : f32 to vector<1x1152x1152xf32>
    %select_n3A = arith.select %eq3A, %broadcast_in_dim3A_4, %broadcast_in_dim3A_5 : vector<1x1152x1152xi1>, vector<1x1152x1152xf32>
    %swap3A = arith.constant 0 : index
    %swap3A_6 = arith.constant 0 : index
    %swap3A_7 = arith.constant 0 : index
    %swap3A_8 = vector.load %arg2[%swap3A, %swap3A_6, %swap3A_7] : memref<1x1152x1152xf32, #tpu.memory_space<vmem>>, vector<1x1152x1152xf32>
    tpu.vector_store %arg2[%swap3A, %swap3A_6, %swap3A_7], %select_n3A {strides = array<i32>} : memref<1x1152x1152xf32, #tpu.memory_space<vmem>>, vector<1x1152x1152xf32>,
    return
  }
  func.func @transform_0(%arg0: i32) -> (i32, i32, i32) {
    %c0_i32 = arith.constant 0 : i32
    %c0_i32_0 = arith.constant 0 : i32
    %c0_i32_1 = arith.constant 0 : i32
    return %arg0, %c0_i32, %c0_i32_0 : i32, i32, i32
  }
  func.func @transform_1(%arg0: i32) -> (i32, i32, i32) {
    %c0_i32 = arith.constant 0 : i32
    %c0_i32_0 = arith.constant 0 : i32
    %c0_i32_1 = arith.constant 0 : i32
    return %arg0, %c0_i32, %c0_i32_0 : i32, i32, i32
  }
}

</mosaic_0001>

<sc_bundles>
// kernel: kernel.4.cloned.1.call-start
scs
__scs_entry_jumppad:
0x0: {  	(pc) =	sbr.rel $0x88, $3  }
0x1: {  	(tag) =	ssettag $0x0;
	lr =	simm.s32 $0x1  }
0x2: {  	[smem:$0x3F9E] =	sst lr;
	_ =	strace $0xD0000000  }
0x3: {  	_ = 	snop  }
0x4: {  	_ = 	snop  }
0x5: {  	_ = 	snop  }
0x6: {  	_ = 	snop  }
0x7: {  	_ = 	snop  }
__scs_overlays_trampoline_lowered:
0x8: {  	[smem:$0x3FAD] =	sst s0  }
0x9: {  	[smem:$0x3FAE] =	sst s1  }
0xa: {  	[smem:$0x3FAF] =	sst s2  }
0xb: {  	[smem:$0x3FB0] =	sst s3  }
0xc: {  	[smem:$0x3FB1] =	sst s4  }
0xd: {  	[smem:$0x3FB2] =	sst s5  }
0xe: {  	[smem:$0x3FB3] =	sst s6  }
0xf: {  	[smem:$0x3FB4] =	sst s7  }
0x10: {  	[smem:$0x3FB5] =	sst s8  }
0x11: {  	[smem:$0x3FB6] =	sst s9;
	s0 =	simm.s32 @!p0 $0x0  }
0x12: {  	s1 =	sld [smem:$0x3F9C];
	s0 =	simm.s32 @p0 $0x1  }
0x13: {  	[smem:$0x3FB7] =	sst s0;
	s0 =	simm.s32 @!p1 $0x0  }
0x14: {  	s2 =	sld [smem:$0x3F9B];
	s0 =	simm.s32 @p1 $0x1  }
0x15: {  	[smem:$0x3FB8] =	sst s0;
	s0 =	simm.s32 @!p2 $0x0  }
0x16: {  	s3 =	sld [smem:$0x3FDB];
	s0 =	simm.s32 @p2 $0x1  }
0x17: {  	s4 =	simm.s32 $0x1BF5;
	[smem:$0x3FBA] =	sst s0  }
0x18: {  	s0 =	sld [smem:$0x3F9D];
	_ =	swait.ge [sflag:s4], $0x0  }
0x19: {  	s7 =	sld [smem:$0x3F9E]  }
0x1a: {  	s8 =	sadd.s32 $0xFFFFE003, lr  }
0x1b: {  	s9 =	sadd.s32 $0xFFFFFEF7, lr;
	s5 =	simm.s32 $0xFFFFFFFF;
	p2 =	slt.u32 s8, $0xFFFFF086  }
0x1c: {  	p1 =	slt.u32 s9, $0xF7A;
	s5 =	simm.s32 @!p2 $0x0  }
0x1d: {  	s5 =	simm.s32 @p1 $0x1;
	p0 =	seq.s32 s7, s2  }
0x1e: {  	s7 =	smul.u32 @!p0 $0xF7A, s2;
	p2 =	seq.s32 @!p0 s5, $0x0  }
0x1f: {  	s9 =	smul.u32 $0xF7A, s1;
	s8 =	simm.s32 @!p0 $0x1BF5;
	p2 =	por !p2, p0  }
0x20: {  	[sflag:s8] =	ssyncset.s32 @!p0 $0xFFFFF086;
	s6 =	sadd.s32 @!p0 s3, s7;
	s7 =	simm.s32 @!p0 $0x108  }
0x21: {  	s3 =	sadd.s32 s3, s9;
	s6 =	sadd.s32 @!p0 $0x88, s6;
	s7 =	simm.s32 @p2 $0x1082  }
0x22: {  	[simem:s7], [sflag:s8] =	dma.local @!p0 [hbm:s6], $0xF7A  }
0x23: {  	s9 =	sor.u32 $0xD0000000, s2;
	s6 =	simm.s32 $0x108;
	_ =	swait.ge @!p0 [sflag:s8], $0x0  }
0x24: {  	s3 =	sadd.s32 $0x88, s3;
	s6 =	simm.s32 @!p1 $0x1082;
	[sflag:s4] =	ssyncset.s32 $0xFFFFF086  }
0x25: {  	[simem:s6], [sflag:s4] =	dma.local [hbm:s3], $0xF7A  }
0x26: {  	[smem:$0x3F9E] =	sst s1;
	(tag) =	ssettag s2;
	_ =	strace s9  }
0x27: {  	s1 =	sld [smem:$0x3FAE]  }
0x28: {  	s2 =	sld [smem:$0x3FAF]  }
0x29: {  	s4 =	sld [smem:$0x3FB1]  }
0x2a: {  	p0 =	seq.s32 s5, $0x0;
	s5 =	sld [smem:$0x3FB2]  }
0x2b: {  	s6 =	sld [smem:$0x3FB3]  }
0x2c: {  	s7 =	sld [smem:$0x3FB4]  }
0x2d: {  	s3 =	simm.s32 $0x108;
	s8 =	sld [smem:$0x3FB5]  }
0x2e: {  	s3 =	simm.s32 @!p0 $0x1082;
	s9 =	sld [smem:$0x3FB6]  }
0x2f: {  	lr =	sadd.s32 s0, s3;
	s0 =	sld [smem:$0x3FAD]  }
0x30: {  	s3 =	sld [smem:$0x3FB0]  }
0x31: {  	[smem:$0x3FB9] =	sst s10  }
0x32: {  	s10 =	sld [smem:$0x3FB7];
	_ =	sdelay $0x3  }
0x33: {  	p0 =	seq.s32 s10, $0x1;
	s10 =	sld [smem:$0x3FB9];
	_ =	sdelay $0x3  }
0x34: {  	[smem:$0x3FB9] =	sst s10  }
0x35: {  	s10 =	sld [smem:$0x3FB8];
	_ =	sdelay $0x3  }
0x36: {  	p1 =	seq.s32 s10, $0x1;
	s10 =	sld [smem:$0x3FB9];
	_ =	sdelay $0x3  }
0x37: {  	[smem:$0x3FB9] =	sst s10  }
0x38: {  	s10 =	sld [smem:$0x3FBA]  }
0x39: {  	_ = 	snop;
	(pc) =	sbr.ind lr, $3  }
0x3a: {  	_ = 	snop  }
0x3b: {  	_ = 	snop  }
0x3c: {  	p2 =	seq.s32 s10, $0x1;
	s10 =	sld [smem:$0x3FB9]  }
0x3d: {  	_ =	shalt  }
0x3e: {  	_ =	shalt  }
0x3f: {  	_ =	shalt  }
0x40: {  	_ =	shalt  }
0x41: {  	_ =	shalt  }
0x42: {  	_ =	shalt  }
0x43: {  	_ =	shalt  }
0x44: {  	_ =	shalt  }
0x45: {  	_ =	shalt  }
0x46: {  	_ =	shalt  }
0x47: {  	_ =	shalt  }
0x48: {  	_ =	shalt  }
0x49: {  	_ =	shalt  }
0x4a: {  	_ =	shalt  }
0x4b: {  	_ =	shalt  }
0x4c: {  	_ =	shalt  }
0x4d: {  	_ =	shalt  }
0x4e: {  	_ =	shalt  }
0x4f: {  	_ =	shalt  }
0x50: {  	_ =	shalt  }
0x51: {  	_ =	shalt  }
0x52: {  	_ =	shalt  }
0x53: {  	_ =	shalt  }
0x54: {  	_ =	shalt  }
0x55: {  	_ =	shalt  }
0x56: {  	_ =	shalt  }
0x57: {  	_ =	shalt  }
0x58: {  	_ =	shalt  }
0x59: {  	_ =	shalt  }
0x5a: {  	_ =	shalt  }
0x5b: {  	_ =	shalt  }
0x5c: {  	_ =	shalt  }
0x5d: {  	_ =	shalt  }
0x5e: {  	_ =	shalt  }
0x5f: {  	_ =	shalt  }
0x60: {  	_ =	shalt  }
0x61: {  	_ =	shalt  }
0x62: {  	_ =	shalt  }
0x63: {  	_ =	shalt  }
0x64: {  	_ =	shalt  }
0x65: {  	_ =	shalt  }
0x66: {  	_ =	shalt  }
0x67: {  	_ =	shalt  }
0x68: {  	_ =	shalt  }
0x69: {  	_ =	shalt  }
0x6a: {  	_ =	shalt  }
0x6b: {  	_ =	shalt  }
0x6c: {  	_ =	shalt  }
0x6d: {  	_ =	shalt  }
0x6e: {  	_ =	shalt  }
0x6f: {  	_ =	shalt  }
0x70: {  	_ =	shalt  }
0x71: {  	_ =	shalt  }
0x72: {  	_ =	shalt  }
0x73: {  	_ =	shalt  }
0x74: {  	_ =	shalt  }
0x75: {  	_ =	shalt  }
0x76: {  	_ =	shalt  }
0x77: {  	_ =	shalt  }
0x78: {  	_ =	shalt  }
0x79: {  	_ =	shalt  }
0x7a: {  	_ =	shalt  }
0x7b: {  	_ =	shalt  }
0x7c: {  	_ =	shalt  }
0x7d: {  	_ =	shalt  }
0x7e: {  	_ =	shalt  }
0x7f: {  	_ =	shalt  }
0x80: {  	_ =	shalt  }
0x81: {  	_ =	shalt  }
0x82: {  	_ =	shalt  }
0x83: {  	_ =	shalt  }
0x84: {  	_ =	shalt  }
0x85: {  	_ =	shalt  }
0x86: {  	_ =	shalt  }
0x87: {  	_ =	shalt  }
.Lfunc_end0:
.L_simem_size_0:
called_computation_lowered:
.L_overlay_start_0:
0x88: {  	s2 =	sld [smem:$0x3FD9]  }
0x89: {  	s3 =	sld [smem:$0x3FFE];
	_ =	sdelay $0x1  }
0x8a: {  	s1 =	srdreg.scid  }
0x8b: {  	s0 =	sand.u32 $0x1, s1  }
0x8c: {  	s17 =	sshll.u32 s0, $0xA;
	s2 =	sadd.s32 s3, s2  }
0x8d: {  	s2 =	sadd.s32 s2, s17  }
0x8e: {  	[smem:$0x3FC5] =	sst s2  }
0x8f: {  	_ = 	snop  }
0x90: {  	s2 =	sld [smem:$0x3FC9]  }
0x91: {  	s18 =	sld [smem:$0x3FD0];
	(tm) =	ssettm $0x1  }
0x92: {  	s4 =	sld [smem:$0x3FFB];
	_ =	sdelay $0x3  }
0x93: {  	_ =	strace s4  }
0x94: {  	s4 =	sld [smem:$0x3FFC];
	_ =	sdelay $0x3  }
0x95: {  	_ =	strace s4  }
0x96: {  	s4 =	sld [smem:$0x3FFD];
	_ =	sdelay $0x3  }
0x97: {  	_ =	strace s4  }
0x98: {  	_ =	strace $0x8FFFFFFF  }
0x99: {  	s19 =	sld [smem:$0x3FDB];
	_ =	sdelay $0x1  }
0x9a: {  	s5 =	simm.s32 $_scs_section_size  }
0x9b: {  	s6 =	simm.s32 $_size__tile_overlayer_lowered;
	s7 =	simm.s32 $_tile_overlayer_lowered  }
0x9c: {  	s22 =	simm.s32 $0x1BFF;
	s21 =	sshll.u32 s7, $0x1;
	s4 =	sadd.s32 s5, s19  }
0x9d: {  	s8 =	simm.s32 $0x0;
	s20 =	sshll.u32 s6, $0x1;
	s6 =	sadd.s32 s21, s4  }
0x9e: {  	[timem:s8], [sflag:s22] =	dma.local [hbm:s6], s20  }
0x9f: {  	_ =	swait.ge [sflag:s22], s20  }
0xa0: {  	s5 =	ssub.s32 $0x0, s20;
	[sflag:s22] =	ssyncset.done $0x0  }
0xa1: {  	[sflag:s22] =	ssyncadd.s32 s5;
	_ =	sdelay $0x1  }
0xa2: {  	s23 =	simm.s32 $0x1B8B  }
0xa3: {  	_ =	swait.ge [sflag:s23], $0x1  }
0xa4: {  	[sflag:s23] =	ssyncset.done $0x0  }
0xa5: {  	s25 =	simm.s32 $0x1B8E;
	s24 =	sld [smem:$0x3FFE];
	[sflag:s23] =	ssyncadd.s32 $0xFFFFFFFF  }
0xa6: {  	s26 =	simm.s32 $execute0_lowered;
	[smem:$0x3FD2] =	sst s25  }
0xa7: {  	s6 =	sshll.u32 s26, $0x1;
	_ =	strace $0x80000046;
	[dreg:$0x1] =	wrdreg $0xFFFFFFFF  }
0xa8: {  	s28 =	simm.s32 $_size_execute0_lowered;
	s4 =	sadd.s32 s4, s6;
	[dreg:$0x0] =	wrdreg $0x0  }
0xa9: {  	s6 =	sshll.u32 s28, $0x1;
	[dreg:$0x2] =	wrdreg s4  }
0xaa: {  	[dreg:$0x3] =	wrdreg s6  }
0xab: {  	[dreg:$0x4] =	wrdreg $0xC0  }
0xac: {  	_ =	task [dreg:s8], $0x5FFFF  }
0xad: {  	[dreg:$0x1] =	wrdreg $0xFFFFFFFF  }
0xae: {  	[dreg:$0x0] =	wrdreg $0x60  }
0xaf: {  	[dreg:$0x2] =	wrdreg s2  }
0xb0: {  	[dreg:$0x3] =	wrdreg s24  }
0xb1: {  	[dreg:$0x4] =	wrdreg s18  }
0xb2: {  	[dreg:$0x5] =	wrdreg $0x9  }
0xb3: {  	_ =	task.clear_ibuf [dreg:s8], $0x6FFFF;
	_ =	strace $0x90000046  }
0xb4: {  	s29 =	simm.s32 $0x9;
	_ =	strace $0x80000048  }
0xb5: {  	_ =	swait.ge [sflag:s29], $0x1  }
0xb6: {  	[sflag:s29] =	ssyncadd.s32 $0xFFFFFFFF  }
0xb7: {  	_ =	strace $0x90000048  }
0xb8: {  	_ =	sfence  }
0xb9: {  	s30 =	sld [smem:$0x0];
	_ =	sdelay $0x2  }
0xba: {  	s31 =	sshll.u32 s1, $0xD;
	s1 =	sshrl.u32 s1, $0x2  }
0xbb: {  	s3 =	sand.u32 $0x4000, s31;
	s1 =	sadd.s32 s1, s30  }
0xbc: {  	s0 =	sor.u32 s3, s0;
	s1 =	sshll.u32 s1, $0x11  }
0xbd: {  	s0 =	sor.u32 s1, s0  }
0xbe: {  	s0 =	sadd.s32 $0x8F2B, s0  }
0xbf: {  	[sflag:s0] =	ssyncadd.remote.s32 $0x1  }
0xc0: {  	_ =	sfence.sel $0xFFFF  }
0xc1: {  	[dreg:$0x0] =	wrdreg $0xFFFFFFFF;
	(pc) =	sbr.abs _section_cstart, $3  }
0xc2: {  	[dreg:$0x1] =	wrdreg $0xFFFFFFFF  }
0xc3: {  	_ =	task.clear_ibuf [dreg:s8], $0x2FFFF;
	_ =	strace $0x9FFFFFFF  }
0xc4: {  	(tm) =	ssettm $0x7FFFFFFF  }
0xc5: {  	_ =	shalt  }
tec
execute0_lowered:
.L_overlay_start_1:
0x0: {  	(tag) =	ssettag $0x1  }
0x1: {  	v30 =	vlaneseq.u32;
	v2 =	vimm.s32 $0xFBF8F5F2;
	vm0 =	vcmask $0xF00  }
0x2: {  	vm1 =	vcmask $0x1F10;
	vm2 =	vcmask $0x1310;
	vm10 =	vcmask $0x1714  }
0x3: {  	vm11 =	vcmask $0x2320;
	vm12 =	vcmask $0x1B18;
	v4 =	vimm.s32 $0x65432108  }
0x4: {  	vm13 =	vcmask $0x1F1C;
	vm14 =	vcmask $0x2300;
	v5 =	vimm.s32 $0x54321087  }
0x5: {  	vm15 =	vcmask $0x2B10;
	v6 =	vimm.s32 $0x21087654;
	v8 =	vimm.s32 $0x10876543  }
0x6: {  	v10 =	vimm.s32 $0x8765432;
	vm3 =	vcmask $0x3310;
	vm4 =	vcmask $0x1700  }
0x7: {  	v12 =	vimm.s32 $0x7;
	vm5 =	vcmask $0x3B18;
	v14 =	vimm.s32 $0x9090908  }
0x8: {  	vm7 =	vcmask $0x2710;
	vm6 =	vcmask $0x2F10;
	v0 =	vmul.u32 $0x3, v30  }
0x9: {  	vm8 =	vcmask $0x3714;
	vm9 =	vcmask $0x1B00;
	v17 =	vimm.s32 $0x79797978  }
0xa: {  	v19 =	vimm.s32 $0x77;
	v21 =	vimm.s32 $0x7B7A7A7A;
	v1 =	vadd.s32 $0x2, v0  }
0xb: {  	v25 =	vimm.s32 $0x7F;
	v2 =	vunpack.c.0.s8.s32 v2;
	v3 =	vadd.s32 $0x62, v0;
	[tilespmem:$0x1FE50] =	vst v1  }
0xc: {  	v4 =	vunpack.c.l.s4.s8 v4;
	v6 =	vunpack.c.l.s4.s8 v6;
	v1 =	vadd.s32 $0x32, v0;
	[tilespmem:$0x1FE70] =	vst v3  }
0xd: {  	v8 =	vunpack.c.l.s4.s8 v8;
	v3 =	vadd.s32 $0x92, v0;
	[tilespmem:$0x1FE60] =	vst v1;
	v1 =	vimm.s32 $0x53525150  }
0xe: {  	v2 =	vand.u32 $0xFF, v2;
	[tilespmem:$0x1FE80] =	vst v3;
	v3 =	vimm.s32 $0x57565554;
	v1 =	vunpack.c.0.s8.s32 v1  }
0xf: {  	v10 =	vunpack.c.l.s4.s8 v10;
	v2 =	vnsel vm0, $0x10D, v2;
	v3 =	vunpack.c.0.s8.s32 v3  }
0x10: {  	v17 =	vunpack.c.0.s8.s32 v17;
	v2 =	vsel vm2, $0xFE, v2;
	v1 =	vnsel vm0, $0x59, v1  }
0x11: {  	v0 =	vadd.s32 $0xC2, v0;
	v2 =	vsel vm10, $0x101, v2;
	v1 =	vsel vm1, v3, v1  }
0x12: {  	[tilespmem:$0x1FE90] =	vst v0;
	v2 =	vsel vm12, $0x104, v2;
	v3 =	vimm.s32 $0x76543210;
	v0 =	vsel vm11, $0x58, v1  }
0x13: {  	v19 =	vsel vm4, $0x75, v19;
	v3 =	vunpack.c.l.s4.s8 v3;
	[tilespmem:$0x1FEA0] =	vst v0;
	v0 =	vsel vm13, $0x107, v2  }
0x14: {  	v21 =	vunpack.c.0.s8.s32 v21;
	v25 =	vsel vm9, $0x7E, v25;
	v0 =	vsel vm11, $0x10A, v0  }
0x15: {  	v26 =	vor.u32 $0x10, v30;
	v1 =	vunpack.c.0.s8.s32 v4;
	[tilespmem:$0x1FEB0] =	vst v0;
	v0 =	vunpack.c.0.s8.s32 v3  }
0x16: {  	v27 =	vor.u32 $0x20, v30;
	v28 =	vshrl.u32 v30, $0x3;
	v2 =	vimm.s32 $0x1  }
0x17: {  	v2 =	vsel vm14, $0x0, v2;
	v3 =	vimm.s32 $0x2020101;
	v4 =	vcombine.low v0, v1  }
0x18: {  	[tilespmem:$0x1FEC0] =	vst v2;
	v2 =	vunpack.c.l.s4.s8 v5;
	v5 =	vimm.s32 $0x43210876;
	v3 =	vunpack.c.0.s8.s32 v3  }
0x19: {  	v29 =	vor.u32 $0x30, v30;
	v9 =	vand.u32 $0xF, v4;
	v4 =	vunpack.c.l.s4.s8 v5  }
0x1a: {  	v2 =	vunpack.c.0.s8.s32 v2;
	v3 =	vnsel vm0, $0x3, v3;
	v5 =	vimm.s32 $0x32108765  }
0x1b: {  	v3 =	vsel vm15, $0x2, v3;
	v5 =	vunpack.c.l.s4.s8 v5;
	v4 =	vunpack.c.0.s8.s32 v4  }
0x1c: {  	v30 =	vor.u32 $0x40, v30;
	v6 =	vunpack.c.0.s8.s32 v6;
	[tilespmem:$0x1FED0] =	vst v3;
	v3 =	vimm.s32 $0x5  }
0x1d: {  	v3 =	vsel vm0, $0x3, v3;
	v5 =	vunpack.c.0.s8.s32 v5;
	v7 =	vcombine.low v2, v4  }
0x1e: {  	v31 =	vadd.s32 $0x7, v28;
	v32 =	vadd.s32 $0x17, v28;
	v3 =	vsel vm3, $0x4, v3  }
0x1f: {  	v33 =	vadd.s32 $0x27, v28;
	[tilespmem:$0x1FEE0] =	vst v3;
	v3 =	vcombine.low v5, v6;
	v11 =	vand.u32 $0xF, v7  }
0x20: {  	v7 =	vunpack.c.0.s8.s32 v8;
	v8 =	vunpack.c.0.s8.s32 v10;
	v10 =	vimm.s32 $0x87654321  }
0x21: {  	v10 =	vunpack.c.l.s4.s8 v10;
	v13 =	vand.u32 $0xF, v3;
	v3 =	vsel vm4, $0x5, v12  }
0x22: {  	v1 =	vcombine.low v1, v2;
	v2 =	vimm.s32 $0xB0A0A0A;
	v3 =	vsel vm5, $0x6, v3  }
0x23: {  	v12 =	vcombine.low v7, v8;
	v10 =	vunpack.c.0.s8.s32 v10;
	[tilespmem:$0x1FEF0] =	vst v3;
	v3 =	vunpack.c.0.s8.s32 v14  }
0x24: {  	v34 =	vadd.s32 $0x37, v28;
	v23 =	vnsel vm0, $0x7A, v17;
	v2 =	vunpack.c.0.s8.s32 v2  }
0x25: {  	v15 =	vand.u32 $0xF, v12;
	v12 =	vand.u32 $0xF, v10;
	v3 =	vnsel vm0, $0xA, v3  }
0x26: {  	v17 =	vsel vm5, $0x76, v19;
	v16 =	vcombine.low v12, v0;
	v0 =	vsel vm7, $0x9, v3  }
0x27: {  	v21 =	vnsel vm0, $0x7C, v21;
	v19 =	vsel vm7, $0x79, v23;
	[tilespmem:$0x1FF00] =	vst v0;
	v0 =	vnsel vm0, $0xC, v2  }
0x28: {  	v18 =	vand.u32 $0xF, v1;
	v1 =	vcombine.low v4, v5;
	v0 =	vsel vm6, $0xB, v0  }
0x29: {  	v23 =	vimm.s32 $0x7E;
	vm10 =	vcmask $0x1300;
	[tilespmem:$0x1FF10] =	vst v0;
	v0 =	vimm.s32 $0xE  }
0x2a: {  	v23 =	vsel vm10, $0x7C, v23;
	v20 =	vand.u32 $0xF, v1;
	v0 =	vsel vm10, $0xC, v0  }
0x2b: {  	v3 =	vimm.s32 $0xF;
	v2 =	vimm.s32 $0x12121111;
	v0 =	vsel vm8, $0xD, v0  }
0x2c: {  	v1 =	vcombine.low v6, v7;
	v2 =	vunpack.c.0.s8.s32 v2;
	[tilespmem:$0x1FF20] =	vst v0;
	v0 =	vsel vm9, $0xE, v3  }
0x2d: {  	v21 =	vsel vm6, $0x7B, v21;
	v23 =	vsel vm8, $0x7D, v23;
	[tilespmem:$0x1FF30] =	vst v0;
	v0 =	vimm.s32 $0x11  }
0x2e: {  	v22 =	vand.u32 $0xF, v1;
	v1 =	vnsel vm0, $0x13, v2;
	v0 =	vsel vm14, $0x10, v0  }
0x2f: {  	v6 =	vimm.s32 $0x6B6A6A6A;
	v7 =	vimm.s32 $0x6E;
	[tilespmem:$0x1FF40] =	vst v0;
	v0 =	vsel vm15, $0x12, v1  }
0x30: {  	v6 =	vunpack.c.0.s8.s32 v6;
	v7 =	vsel vm10, $0x6C, v7;
	[tilespmem:$0x1FF50] =	vst v0;
	v0 =	vimm.s32 $0x19191918  }
0x31: {  	v14 =	vimm.s32 $0x75;
	v7 =	vsel vm8, $0x6D, v7;
	v0 =	vunpack.c.0.s8.s32 v0  }
0x32: {  	v14 =	vsel vm0, $0x73, v14;
	v4 =	vcombine.low v8, v10;
	v2 =	vimm.s32 $0x1B1A1A1A  }
0x33: {  	v2 =	vunpack.c.0.s8.s32 v2;
	v1 =	vimm.s32 $0x15;
	v0 =	vnsel vm0, $0x1A, v0  }
0x34: {  	v6 =	vnsel vm0, $0x6C, v6;
	v1 =	vsel vm0, $0x13, v1;
	v0 =	vsel vm7, $0x19, v0  }
0x35: {  	v8 =	vimm.s32 $0x72727171;
	v1 =	vsel vm3, $0x14, v1;
	[tilespmem:$0x1FF80] =	vst v0;
	v0 =	vnsel vm0, $0x1C, v2  }
0x36: {  	v10 =	vimm.s32 $0x71;
	v3 =	vimm.s32 $0x17;
	[tilespmem:$0x1FF60] =	vst v1;
	v0 =	vsel vm6, $0x1B, v0  }
0x37: {  	v14 =	vsel vm3, $0x74, v14;
	v1 =	vsel vm4, $0x15, v3;
	[tilespmem:$0x1FF90] =	vst v0;
	v0 =	vimm.s32 $0x1E  }
0x38: {  	v6 =	vsel vm6, $0x6B, v6;
	v1 =	vsel vm5, $0x16, v1;
	v0 =	vsel vm10, $0x1C, v0  }
0x39: {  	v12 =	vunpack.c.0.s8.s32 v8;
	[tilespmem:$0x1FF70] =	vst v1;
	v2 =	vimm.s32 $0x1F;
	v0 =	vsel vm8, $0x1D, v0  }
0x3a: {  	v8 =	vimm.s32 $0x6F;
	v1 =	vimm.s32 $0x22222121;
	[tilespmem:$0x1FFA0] =	vst v0;
	v0 =	vsel vm9, $0x1E, v2  }
0x3b: {  	v10 =	vsel vm14, $0x70, v10;
	v1 =	vunpack.c.0.s8.s32 v1;
	[tilespmem:$0x1FFB0] =	vst v0;
	v0 =	vimm.s32 $0x21  }
0x3c: {  	v24 =	vand.u32 $0xF, v4;
	v4 =	vimm.s32 $0x67;
	v0 =	vsel vm14, $0x20, v0  }
0x3d: {  	v8 =	vsel vm9, $0x6E, v8;
	v4 =	vsel vm4, $0x65, v4;
	[tilespmem:$0x1FFC0] =	vst v0;
	v0 =	vnsel vm0, $0x23, v1  }
0x3e: {  	v12 =	vnsel vm0, $0x73, v12;
	v1 =	vimm.s32 $0x29292928;
	v0 =	vsel vm15, $0x22, v0  }
0x3f: {  	v3 =	vimm.s32 $0x2B2A2A2A;
	v1 =	vunpack.c.0.s8.s32 v1;
	[tilespmem:$0x1FFD0] =	vst v0;
	v0 =	vimm.s32 $0x25  }
0x40: {  	v3 =	vunpack.c.0.s8.s32 v3;
	v2 =	vimm.s32 $0x27;
	v0 =	vsel vm0, $0x23, v0  }
0x41: {  	v2 =	vsel vm4, $0x25, v2;
	v1 =	vnsel vm0, $0x2A, v1;
	v0 =	vsel vm3, $0x24, v0  }
0x42: {  	v4 =	vsel vm5, $0x66, v4;
	v37 =	vsel vm7, $0x29, v1;
	[tilespmem:$0x1FFE0] =	vst v0;
	v0 =	vsel vm5, $0x26, v2  }
0x43: {  	v1 =	vimm.s32 $0x2E;
	v2 =	vimm.s32 $0x32323131;
	[tilespmem:$0x1FFF0] =	vst v0;
	v0 =	vnsel vm0, $0x2C, v3  }
0x44: {  	v38 =	vsel vm6, $0x2B, v0;
	v0 =	vsel vm10, $0x2C, v1;
	v1 =	vunpack.c.0.s8.s32 v2  }
0x45: {  	v2 =	vimm.s32 $0x31;
	v39 =	vsel vm8, $0x2D, v0;
	v0 =	vimm.s32 $0x2F  }
0x46: {  	v41 =	vsel vm14, $0x30, v2;
	v40 =	vsel vm9, $0x2E, v0;
	v0 =	vnsel vm0, $0x33, v1  }
0x47: {  	v1 =	vimm.s32 $0x39393938;
	v42 =	vsel vm15, $0x32, v0;
	v0 =	vimm.s32 $0x35  }
0x48: {  	v2 =	vimm.s32 $0x37;
	v1 =	vunpack.c.0.s8.s32 v1;
	v0 =	vsel vm0, $0x33, v0  }
0x49: {  	v43 =	vsel vm3, $0x34, v0;
	v0 =	vsel vm4, $0x35, v2;
	v2 =	vimm.s32 $0x3B3A3A3A  }
0x4a: {  	v44 =	vsel vm5, $0x36, v0;
	v0 =	vnsel vm0, $0x3A, v1;
	v1 =	vunpack.c.0.s8.s32 v2  }
0x4b: {  	v2 =	vimm.s32 $0x42424141;
	v45 =	vsel vm7, $0x39, v0;
	v0 =	vimm.s32 $0x3E  }
0x4c: {  	v2 =	vunpack.c.0.s8.s32 v2;
	v1 =	vnsel vm0, $0x3C, v1;
	v0 =	vsel vm10, $0x3C, v0  }
0x4d: {  	v3 =	vimm.s32 $0x47;
	v46 =	vsel vm6, $0x3B, v1;
	v47 =	vsel vm8, $0x3D, v0  }
0x4e: {  	v0 =	vimm.s32 $0x3F;
	v1 =	vnsel vm0, $0x43, v2;
	v2 =	vimm.s32 $0x4B4A4A4A  }
0x4f: {  	v48 =	vsel vm9, $0x3E, v0;
	v0 =	vimm.s32 $0x41;
	v50 =	vsel vm15, $0x42, v1  }
0x50: {  	v1 =	vimm.s32 $0x45;
	v49 =	vsel vm14, $0x40, v0;
	v0 =	vimm.s32 $0x49494948  }
0x51: {  	v2 =	vunpack.c.0.s8.s32 v2;
	v1 =	vsel vm0, $0x43, v1;
	v0 =	vunpack.c.0.s8.s32 v0  }
0x52: {  	v51 =	vsel vm3, $0x44, v1;
	v1 =	vsel vm4, $0x45, v3;
	v3 =	vimm.s32 $0x5B5A5A5A  }
0x53: {  	v52 =	vsel vm5, $0x46, v1;
	v1 =	vimm.s32 $0x52525151;
	v0 =	vnsel vm0, $0x4A, v0  }
0x54: {  	v3 =	vunpack.c.0.s8.s32 v3;
	v53 =	vsel vm7, $0x49, v0;
	v0 =	vnsel vm0, $0x4C, v2  }
0x55: {  	v2 =	vimm.s32 $0x4F;
	v54 =	vsel vm6, $0x4B, v0;
	v0 =	vimm.s32 $0x4E  }
0x56: {  	v56 =	vsel vm9, $0x4E, v2;
	v2 =	vimm.s32 $0x57;
	v0 =	vsel vm10, $0x4C, v0  }
0x57: {  	s5 =	rddreg [dreg:$0x0];
	v1 =	vunpack.c.0.s8.s32 v1;
	v2 =	vsel vm4, $0x55, v2;
	v55 =	vsel vm8, $0x4D, v0  }
0x58: {  	s4 =	rddreg [dreg:$0x1];
	v0 =	vimm.s32 $0x51;
	v60 =	vsel vm5, $0x56, v2;
	v2 =	vimm.s32 $0x62626161  }
0x59: {  	s6 =	rddreg [dreg:$0x2];
	v57 =	vsel vm14, $0x50, v0;
	v0 =	vnsel vm0, $0x53, v1;
	v1 =	vimm.s32 $0x59595958  }
0x5a: {  	s0 =	rddreg [dreg:$0x3];
	v58 =	vsel vm15, $0x52, v0;
	v0 =	vimm.s32 $0x55;
	v1 =	vunpack.c.0.s8.s32 v1  }
0x5b: {  	s2 =	simm.s32 $0x0;
	s3 =	srdreg.scid;
	s1 =	stileid.u32;
	v12 =	vsel vm15, $0x72, v12;
	v2 =	vunpack.c.0.s8.s32 v2;
	v0 =	vsel vm0, $0x53, v0  }
0x5c: {  	s11 =	simm.s32 $0x1F0;
	s12 =	simm.s32 $0x250;
	s13 =	simm.s32 $0x2;
	v1 =	vnsel vm0, $0x5A, v1;
	v59 =	vsel vm3, $0x54, v0;
	v0 =	vnsel vm0, $0x5C, v3  }
0x5d: {  	[smem:$0x7FF] =	sst s2;
	s3 =	sand.u32 $0x1, s3;
	s7 =	sshll.u32 s1, $0x1;
	v3 =	vimm.s32 $0x5F;
	v61 =	vsel vm7, $0x59, v1;
	v1 =	vimm.s32 $0x5E  }
0x5e: {  	s8 =	ssub.s32 $0x2, s3;
	s7 =	sor.u32 s3, s7;
	s3 =	sadd.s32 $0x600, s4;
	v62 =	vsel vm6, $0x5B, v0;
	v0 =	vsel vm9, $0x5E, v3;
	v3 =	vimm.s32 $0x69696968  }
0x5f: {  	s9 =	sshrl.u32 s8, $0x1;
	s10 =	smul.u32 $0x90, s7;
	s7 =	sshll.u32 s7, $0x4;
	v2 =	vnsel vm0, $0x63, v2;
	v1 =	vsel vm10, $0x5C, v1;
	v5 =	vunpack.c.0.s8.s32 v3  }
0x60: {  	s4 =	sadd.s32 $0x800, s4;
	s8 =	ssub.s32 s8, s9;
	s5 =	sadd.s32 s5, s7;
	v2 =	vsel vm15, $0x62, v2;
	v3 =	vimm.s32 $0x65;
	v63 =	vsel vm8, $0x5D, v1  }
0x61: {  	s9 =	simm.s32 $0xE0;
	s6 =	sadd.s32 s6, s10;
	s7 =	smax.u32 s8, $0x1;
	v1 =	vimm.s32 $0x61;
	v3 =	vsel vm0, $0x63, v3;
	v5 =	vnsel vm0, $0x6A, v5  }
0x62: {  	s8 =	simm.s32 $0x80;
	s10 =	simm.s32 $0x1;
	_ =	strace $0x80000047;
	v1 =	vsel vm14, $0x60, v1;
	v3 =	vsel vm3, $0x64, v3;
	v5 =	vsel vm7, $0x69, v5  }
.LBB2_1:
0x63: {  	[tilespmem:s2], [sflag:$0x1] =	stream.linear.gather [hbm4b:s5+s2], $0x80, $0x38;
	[tilespmem:$0x6D0] =	vst v63  }
0x64: {  	_ = 	snop  }
0x65: {  	[tilespmem:s8], [sflag:$0x1] =	stream.linear.gather [hbm4b:s3+s2], $0x60, $0x38;
	[tilespmem:$0x6D0] =	vst v63  }
0x66: {  	_ = 	snop  }
0x67: {  	[tilespmem:s9], [sflag:$0x1] =	stream.linear.gather [hbm4b:s4+s2], $0x110, $0x38;
	[tilespmem:$0x6D0] =	vst v63  }
0x68: {  	_ =	swait.ge [sflag:s10], $0x80  }
0x69: {  	[sflag:s10] =	ssyncset.done $0x0  }
0x6a: {  	[sflag:s10] =	ssyncadd.s32 $0xFFFFFF80  }
0x6b: {  	_ =	swait.ge [sflag:s10], $0x60  }
0x6c: {  	[sflag:s10] =	ssyncset.done $0x0  }
0x6d: {  	[sflag:s10] =	ssyncadd.s32 $0xFFFFFFA0  }
0x6e: {  	_ =	swait.ge [sflag:s10], $0x110  }
0x6f: {  	v35 =	vld [tilespmem:$0x1FE50];
	_ =	sdelay $0x3  }
0x70: {  	v36 =	vlaneseq.u32;
	_ =	sdelay $0x1  }
0x71: {  	[sflag:s10] =	ssyncset.done $0x0  }
0x72: {  	[sflag:s10] =	ssyncadd.s32 $0xFFFFFEF0  }
0x73: {  	v35 =	vld.idx.msk [tilespmem:v35+s9+$0x0], $0xffff  }
0x74: {  	v36 =	vld.idx.msk [tilespmem:v36+s8+$0x0], $0xffff;
	_ =	sdelay $0x3  }
0x75: {  	vm0 =	vgt.f32 v35, $0.0e+00  }
0x76: {  	v35 =	vnsel vm0, $0x0, v36;
	v36 =	vld [tilespmem:$0x1FE60];
	_ =	sdelay $0x6  }
0x77: {  	[tilespmem:$0x1F0] =	vst v35  }
0x78: {  	v35 =	vld.idx.msk [tilespmem:v36+s9+$0x0], $0xffff  }
0x79: {  	v36 =	vld.idx.msk [tilespmem:v26+s8+$0x0], $0xffff;
	_ =	sdelay $0x3  }
0x7a: {  	vm11 =	vgt.f32 v35, $0.0e+00  }
0x7b: {  	v35 =	vnsel vm11, $0x0, v36;
	v36 =	vld [tilespmem:$0x1FE70];
	_ =	sdelay $0x6  }
0x7c: {  	[tilespmem:$0x200] =	vst v35  }
0x7d: {  	v35 =	vld.idx.msk [tilespmem:v36+s9+$0x0], $0xffff  }
0x7e: {  	v36 =	vld.idx.msk [tilespmem:v27+s8+$0x0], $0xffff;
	_ =	sdelay $0x3  }
0x7f: {  	vm12 =	vgt.f32 v35, $0.0e+00  }
0x80: {  	v35 =	vnsel vm12, $0x0, v36;
	v36 =	vld [tilespmem:$0x1FE80];
	_ =	sdelay $0x6  }
0x81: {  	[tilespmem:$0x210] =	vst v35  }
0x82: {  	v35 =	vld.idx.msk [tilespmem:v36+s9+$0x0], $0xffff  }
0x83: {  	v36 =	vld.idx.msk [tilespmem:v29+s8+$0x0], $0xffff;
	_ =	sdelay $0x3  }
0x84: {  	vm13 =	vgt.f32 v35, $0.0e+00  }
0x85: {  	v35 =	vnsel vm13, $0x0, v36;
	v36 =	vld [tilespmem:$0x1FE90];
	_ =	sdelay $0x6  }
0x86: {  	[tilespmem:$0x220] =	vst v35  }
0x87: {  	v35 =	vld.idx.msk [tilespmem:v36+s9+$0x0], $0xffff  }
0x88: {  	v36 =	vld.idx.msk [tilespmem:v30+s8+$0x0], $0xffff;
	_ =	sdelay $0x3  }
0x89: {  	vm14 =	vgt.f32 v35, $0.0e+00  }
0x8a: {  	v35 =	vnsel vm14, $0x0, v36;
	v36 =	vld [tilespmem:$0x1FEB0];
	_ =	sdelay $0x6  }
0x8b: {  	[tilespmem:$0x230] =	vst v35  }
0x8c: {  	v35 =	vld.idx.msk [tilespmem:v36+s9+$0x0], $0xffff  }
0x8d: {  	v36 =	vld [tilespmem:$0x1FEA0];
	_ =	sdelay $0x7  }
0x8e: {  	v36 =	vld.idx.msk [tilespmem:v36+s8+$0x0], $0xffff;
	_ =	sdelay $0x3  }
0x8f: {  	vm15 =	vgt.f32 v35, $0.0e+00  }
0x90: {  	v35 =	vnsel vm15, $0x0, v36;
	v36 =	vld [tilespmem:$0x1FEC0];
	_ =	sdelay $0x6  }
0x91: {  	[tilespmem:$0x240] =	vst v35  }
0x92: {  	v35 =	vld.idx.msk [tilespmem:v36+s2+$0x0], $0xffff;
	_ =	sdelay $0x4  }
0x93: {  	v35 =	vmul.u32 $0x9, v35;
	_ =	sdelay $0x1  }
0x94: {  	v35 =	vadd.s32 v9, v35;
	_ =	sdelay $0x2  }
0x95: {  	v36 =	vld [tilespmem:$0x1FED0];
	_ =	sdelay $0x1  }
0x96: {  	v35 =	vld.idx.msk [tilespmem:v35+s11+$0x0], $0xffff;
	_ =	sdelay $0x4  }
0x97: {  	[tilespmem:$0x250] =	vst v35  }
0x98: {  	v35 =	vld.idx.msk [tilespmem:v36+s2+$0x0], $0xffff;
	_ =	sdelay $0x4  }
0x99: {  	v35 =	vmul.u32 $0x9, v35;
	_ =	sdelay $0x1  }
0x9a: {  	v35 =	vadd.s32 v11, v35;
	_ =	sdelay $0x2  }
0x9b: {  	v36 =	vld [tilespmem:$0x1FEE0];
	_ =	sdelay $0x1  }
0x9c: {  	v35 =	vld.idx.msk [tilespmem:v35+s11+$0x0], $0xffff;
	_ =	sdelay $0x4  }
0x9d: {  	[tilespmem:$0x260] =	vst v35  }
0x9e: {  	v35 =	vld.idx.msk [tilespmem:v36+s2+$0x0], $0xffff;
	_ =	sdelay $0x4  }
0x9f: {  	v35 =	vmul.u32 $0x9, v35;
	_ =	sdelay $0x1  }
0xa0: {  	v35 =	vadd.s32 v13, v35;
	_ =	sdelay $0x2  }
0xa1: {  	v36 =	vld [tilespmem:$0x1FEF0];
	_ =	sdelay $0x1  }
0xa2: {  	v35 =	vld.idx.msk [tilespmem:v35+s11+$0x0], $0xffff;
	_ =	sdelay $0x4  }
0xa3: {  	[tilespmem:$0x270] =	vst v35  }
0xa4: {  	v35 =	vld.idx.msk [tilespmem:v36+s2+$0x0], $0xffff;
	_ =	sdelay $0x4  }
0xa5: {  	v35 =	vmul.u32 $0x9, v35;
	_ =	sdelay $0x1  }
0xa6: {  	v35 =	vadd.s32 v15, v35;
	_ =	sdelay $0x4  }
0xa7: {  	v35 =	vld.idx.msk [tilespmem:v35+s11+$0x0], $0xffff;
	_ =	sdelay $0x4  }
0xa8: {  	[tilespmem:$0x280] =	vst v35  }
0xa9: {  	v35 =	vld.idx.msk [tilespmem:v31+s2+$0x0], $0xffff;
	_ =	sdelay $0x4  }
0xaa: {  	v35 =	vmul.u32 $0x9, v35;
	_ =	sdelay $0x1  }
0xab: {  	v35 =	vadd.s32 v16, v35;
	_ =	sdelay $0x2  }
0xac: {  	v36 =	vld [tilespmem:$0x1FF00];
	_ =	sdelay $0x1  }
0xad: {  	v35 =	vld.idx.msk [tilespmem:v35+s11+$0x0], $0xffff;
	_ =	sdelay $0x4  }
0xae: {  	[tilespmem:$0x290] =	vst v35  }
0xaf: {  	v35 =	vld.idx.msk [tilespmem:v36+s2+$0x0], $0xffff;
	_ =	sdelay $0x4  }
0xb0: {  	v35 =	vmul.u32 $0x9, v35;
	_ =	sdelay $0x1  }
0xb1: {  	v35 =	vadd.s32 v18, v35;
	_ =	sdelay $0x2  }
0xb2: {  	v36 =	vld [tilespmem:$0x1FF10];
	_ =	sdelay $0x1  }
0xb3: {  	v35 =	vld.idx.msk [tilespmem:v35+s11+$0x0], $0xffff;
	_ =	sdelay $0x4  }
0xb4: {  	[tilespmem:$0x2A0] =	vst v35  }
0xb5: {  	v35 =	vld.idx.msk [tilespmem:v36+s2+$0x0], $0xffff;
	_ =	sdelay $0x4  }
0xb6: {  	v35 =	vmul.u32 $0x9, v35;
	_ =	sdelay $0x1  }
0xb7: {  	v35 =	vadd.s32 v20, v35;
	_ =	sdelay $0x2  }
0xb8: {  	v36 =	vld [tilespmem:$0x1FF20];
	_ =	sdelay $0x1  }
0xb9: {  	v35 =	vld.idx.msk [tilespmem:v35+s11+$0x0], $0xffff;
	_ =	sdelay $0x4  }
0xba: {  	[tilespmem:$0x2B0] =	vst v35  }
0xbb: {  	v35 =	vld.idx.msk [tilespmem:v36+s2+$0x0], $0xffff;
	_ =	sdelay $0x4  }
0xbc: {  	v35 =	vmul.u32 $0x9, v35;
	_ =	sdelay $0x1  }
0xbd: {  	v35 =	vadd.s32 v22, v35;
	_ =	sdelay $0x2  }
0xbe: {  	v36 =	vld [tilespmem:$0x1FF30];
	_ =	sdelay $0x1  }
0xbf: {  	v35 =	vld.idx.msk [tilespmem:v35+s11+$0x0], $0xffff;
	_ =	sdelay $0x4  }
0xc0: {  	[tilespmem:$0x2C0] =	vst v35  }
0xc1: {  	v35 =	vld.idx.msk [tilespmem:v36+s2+$0x0], $0xffff;
	_ =	sdelay $0x4  }
0xc2: {  	v35 =	vmul.u32 $0x9, v35;
	_ =	sdelay $0x1  }
0xc3: {  	v35 =	vadd.s32 v24, v35;
	_ =	sdelay $0x2  }
0xc4: {  	v36 =	vld [tilespmem:$0x1FF40];
	_ =	sdelay $0x1  }
0xc5: {  	v35 =	vld.idx.msk [tilespmem:v35+s11+$0x0], $0xffff;
	_ =	sdelay $0x4  }
0xc6: {  	[tilespmem:$0x2D0] =	vst v35  }
0xc7: {  	v35 =	vld.idx.msk [tilespmem:v36+s2+$0x0], $0xffff;
	_ =	sdelay $0x4  }
0xc8: {  	v35 =	vmul.u32 $0x9, v35;
	_ =	sdelay $0x1  }
0xc9: {  	v35 =	vadd.s32 v9, v35;
	_ =	sdelay $0x2  }
0xca: {  	v36 =	vld [tilespmem:$0x1FF50];
	_ =	sdelay $0x1  }
0xcb: {  	v35 =	vld.idx.msk [tilespmem:v35+s11+$0x0], $0xffff;
	_ =	sdelay $0x4  }
0xcc: {  	[tilespmem:$0x2E0] =	vst v35  }
0xcd: {  	v35 =	vld.idx.msk [tilespmem:v36+s2+$0x0], $0xffff;
	_ =	sdelay $0x4  }
0xce: {  	v35 =	vmul.u32 $0x9, v35;
	_ =	sdelay $0x1  }
0xcf: {  	v35 =	vadd.s32 v11, v35;
	_ =	sdelay $0x2  }
0xd0: {  	v36 =	vld [tilespmem:$0x1FF60];
	_ =	sdelay $0x1  }
0xd1: {  	v35 =	vld.idx.msk [tilespmem:v35+s11+$0x0], $0xffff;
	_ =	sdelay $0x4  }
0xd2: {  	[tilespmem:$0x2F0] =	vst v35  }
0xd3: {  	v35 =	vld.idx.msk [tilespmem:v36+s2+$0x0], $0xffff;
	_ =	sdelay $0x4  }
0xd4: {  	v35 =	vmul.u32 $0x9, v35;
	_ =	sdelay $0x1  }
0xd5: {  	v35 =	vadd.s32 v13, v35;
	_ =	sdelay $0x2  }
0xd6: {  	v36 =	vld [tilespmem:$0x1FF70];
	_ =	sdelay $0x1  }
0xd7: {  	v35 =	vld.idx.msk [tilespmem:v35+s11+$0x0], $0xffff;
	_ =	sdelay $0x4  }
0xd8: {  	[tilespmem:$0x300] =	vst v35  }
0xd9: {  	v35 =	vld.idx.msk [tilespmem:v36+s2+$0x0], $0xffff;
	_ =	sdelay $0x4  }
0xda: {  	v35 =	vmul.u32 $0x9, v35;
	_ =	sdelay $0x1  }
0xdb: {  	v35 =	vadd.s32 v15, v35;
	_ =	sdelay $0x4  }
0xdc: {  	v35 =	vld.idx.msk [tilespmem:v35+s11+$0x0], $0xffff;
	_ =	sdelay $0x4  }
0xdd: {  	[tilespmem:$0x310] =	vst v35  }
0xde: {  	v35 =	vld.idx.msk [tilespmem:v32+s2+$0x0], $0xffff;
	_ =	sdelay $0x4  }
0xdf: {  	v35 =	vmul.u32 $0x9, v35;
	_ =	sdelay $0x1  }
0xe0: {  	v35 =	vadd.s32 v16, v35;
	_ =	sdelay $0x2  }
0xe1: {  	v36 =	vld [tilespmem:$0x1FF80];
	_ =	sdelay $0x1  }
0xe2: {  	v35 =	vld.idx.msk [tilespmem:v35+s11+$0x0], $0xffff;
	_ =	sdelay $0x4  }
0xe3: {  	[tilespmem:$0x320] =	vst v35  }
0xe4: {  	v35 =	vld.idx.msk [tilespmem:v36+s2+$0x0], $0xffff;
	_ =	sdelay $0x4  }
0xe5: {  	v35 =	vmul.u32 $0x9, v35;
	_ =	sdelay $0x1  }
0xe6: {  	v35 =	vadd.s32 v18, v35;
	_ =	sdelay $0x2  }
0xe7: {  	v36 =	vld [tilespmem:$0x1FF90];
	_ =	sdelay $0x1  }
0xe8: {  	v35 =	vld.idx.msk [tilespmem:v35+s11+$0x0], $0xffff;
	_ =	sdelay $0x4  }
0xe9: {  	[tilespmem:$0x330] =	vst v35  }
0xea: {  	v35 =	vld.idx.msk [tilespmem:v36+s2+$0x0], $0xffff;
	_ =	sdelay $0x4  }
0xeb: {  	v35 =	vmul.u32 $0x9, v35;
	_ =	sdelay $0x1  }
0xec: {  	v35 =	vadd.s32 v20, v35;
	_ =	sdelay $0x2  }
0xed: {  	v36 =	vld [tilespmem:$0x1FFA0];
	_ =	sdelay $0x1  }
0xee: {  	v35 =	vld.idx.msk [tilespmem:v35+s11+$0x0], $0xffff;
	_ =	sdelay $0x4  }
0xef: {  	[tilespmem:$0x340] =	vst v35  }
0xf0: {  	v35 =	vld.idx.msk [tilespmem:v36+s2+$0x0], $0xffff;
	_ =	sdelay $0x4  }
0xf1: {  	v35 =	vmul.u32 $0x9, v35;
	_ =	sdelay $0x1  }
0xf2: {  	v35 =	vadd.s32 v22, v35;
	_ =	sdelay $0x2  }
0xf3: {  	v36 =	vld [tilespmem:$0x1FFB0];
	_ =	sdelay $0x1  }
0xf4: {  	v35 =	vld.idx.msk [tilespmem:v35+s11+$0x0], $0xffff;
	_ =	sdelay $0x4  }
0xf5: {  	[tilespmem:$0x350] =	vst v35  }
0xf6: {  	v35 =	vld.idx.msk [tilespmem:v36+s2+$0x0], $0xffff;
	_ =	sdelay $0x4  }
0xf7: {  	v35 =	vmul.u32 $0x9, v35;
	_ =	sdelay $0x1  }
0xf8: {  	v35 =	vadd.s32 v24, v35;
	_ =	sdelay $0x2  }
0xf9: {  	v36 =	vld [tilespmem:$0x1FFC0];
	_ =	sdelay $0x1  }
0xfa: {  	v35 =	vld.idx.msk [tilespmem:v35+s11+$0x0], $0xffff;
	_ =	sdelay $0x4  }
0xfb: {  	[tilespmem:$0x360] =	vst v35  }
0xfc: {  	v35 =	vld.idx.msk [tilespmem:v36+s2+$0x0], $0xffff;
	_ =	sdelay $0x4  }
0xfd: {  	v35 =	vmul.u32 $0x9, v35;
	_ =	sdelay $0x1  }
0xfe: {  	v35 =	vadd.s32 v9, v35;
	_ =	sdelay $0x2  }
0xff: {  	v36 =	vld [tilespmem:$0x1FFD0];
	_ =	sdelay $0x1  }
0x100: {  	v35 =	vld.idx.msk [tilespmem:v35+s11+$0x0], $0xffff;
	_ =	sdelay $0x4  }
0x101: {  	[tilespmem:$0x370] =	vst v35  }
0x102: {  	v35 =	vld.idx.msk [tilespmem:v36+s2+$0x0], $0xffff;
	_ =	sdelay $0x4  }
0x103: {  	v35 =	vmul.u32 $0x9, v35;
	_ =	sdelay $0x1  }
0x104: {  	v35 =	vadd.s32 v11, v35;
	_ =	sdelay $0x2  }
0x105: {  	v36 =	vld [tilespmem:$0x1FFE0];
	_ =	sdelay $0x1  }
0x106: {  	v35 =	vld.idx.msk [tilespmem:v35+s11+$0x0], $0xffff;
	_ =	sdelay $0x4  }
0x107: {  	[tilespmem:$0x380] =	vst v35  }
0x108: {  	v35 =	vld.idx.msk [tilespmem:v36+s2+$0x0], $0xffff;
	_ =	sdelay $0x4  }
0x109: {  	v35 =	vmul.u32 $0x9, v35;
	_ =	sdelay $0x1  }
0x10a: {  	v35 =	vadd.s32 v13, v35;
	_ =	sdelay $0x2  }
0x10b: {  	v36 =	vld [tilespmem:$0x1FFF0];
	_ =	sdelay $0x1  }
0x10c: {  	v35 =	vld.idx.msk [tilespmem:v35+s11+$0x0], $0xffff;
	_ =	sdelay $0x4  }
0x10d: {  	[tilespmem:$0x390] =	vst v35  }
0x10e: {  	v35 =	vld.idx.msk [tilespmem:v36+s2+$0x0], $0xffff;
	_ =	sdelay $0x4  }
0x10f: {  	v35 =	vmul.u32 $0x9, v35;
	_ =	sdelay $0x1  }
0x110: {  	v35 =	vadd.s32 v15, v35;
	_ =	sdelay $0x4  }
0x111: {  	v35 =	vld.idx.msk [tilespmem:v35+s11+$0x0], $0xffff;
	_ =	sdelay $0x4  }
0x112: {  	[tilespmem:$0x3A0] =	vst v35  }
0x113: {  	v35 =	vld.idx.msk [tilespmem:v33+s2+$0x0], $0xffff;
	_ =	sdelay $0x4  }
0x114: {  	v35 =	vmul.u32 $0x9, v35;
	_ =	sdelay $0x1  }
0x115: {  	v35 =	vadd.s32 v16, v35;
	_ =	sdelay $0x4  }
0x116: {  	v35 =	vld.idx.msk [tilespmem:v35+s11+$0x0], $0xffff;
	_ =	sdelay $0x4  }
0x117: {  	[tilespmem:$0x3B0] =	vst v35  }
0x118: {  	v35 =	vld.idx.msk [tilespmem:v37+s2+$0x0], $0xffff;
	_ =	sdelay $0x4  }
0x119: {  	v35 =	vmul.u32 $0x9, v35;
	_ =	sdelay $0x1  }
0x11a: {  	v35 =	vadd.s32 v18, v35;
	_ =	sdelay $0x4  }
0x11b: {  	v35 =	vld.idx.msk [tilespmem:v35+s11+$0x0], $0xffff;
	_ =	sdelay $0x4  }
0x11c: {  	[tilespmem:$0x3C0] =	vst v35  }
0x11d: {  	v35 =	vld.idx.msk [tilespmem:v38+s2+$0x0], $0xffff;
	_ =	sdelay $0x4  }
0x11e: {  	v35 =	vmul.u32 $0x9, v35;
	_ =	sdelay $0x1  }
0x11f: {  	v35 =	vadd.s32 v20, v35;
	_ =	sdelay $0x4  }
0x120: {  	v35 =	vld.idx.msk [tilespmem:v35+s11+$0x0], $0xffff;
	_ =	sdelay $0x4  }
0x121: {  	[tilespmem:$0x3D0] =	vst v35  }
0x122: {  	v35 =	vld.idx.msk [tilespmem:v39+s2+$0x0], $0xffff;
	_ =	sdelay $0x4  }
0x123: {  	v35 =	vmul.u32 $0x9, v35;
	_ =	sdelay $0x1  }
0x124: {  	v35 =	vadd.s32 v22, v35;
	_ =	sdelay $0x4  }
0x125: {  	v35 =	vld.idx.msk [tilespmem:v35+s11+$0x0], $0xffff;
	_ =	sdelay $0x4  }
0x126: {  	[tilespmem:$0x3E0] =	vst v35  }
0x127: {  	v35 =	vld.idx.msk [tilespmem:v40+s2+$0x0], $0xffff;
	_ =	sdelay $0x4  }
0x128: {  	v35 =	vmul.u32 $0x9, v35;
	_ =	sdelay $0x1  }
0x129: {  	v35 =	vadd.s32 v24, v35;
	_ =	sdelay $0x4  }
0x12a: {  	v35 =	vld.idx.msk [tilespmem:v35+s11+$0x0], $0xffff;
	_ =	sdelay $0x4  }
0x12b: {  	[tilespmem:$0x3F0] =	vst v35  }
0x12c: {  	v35 =	vld.idx.msk [tilespmem:v41+s2+$0x0], $0xffff;
	_ =	sdelay $0x4  }
0x12d: {  	v35 =	vmul.u32 $0x9, v35;
	_ =	sdelay $0x1  }
0x12e: {  	v35 =	vadd.s32 v9, v35;
	_ =	sdelay $0x4  }
0x12f: {  	v35 =	vld.idx.msk [tilespmem:v35+s11+$0x0], $0xffff;
	_ =	sdelay $0x4  }
0x130: {  	[tilespmem:$0x400] =	vst v35  }
0x131: {  	v35 =	vld.idx.msk [tilespmem:v42+s2+$0x0], $0xffff;
	_ =	sdelay $0x4  }
0x132: {  	v35 =	vmul.u32 $0x9, v35;
	_ =	sdelay $0x1  }
0x133: {  	v35 =	vadd.s32 v11, v35;
	_ =	sdelay $0x4  }
0x134: {  	v35 =	vld.idx.msk [tilespmem:v35+s11+$0x0], $0xffff;
	_ =	sdelay $0x4  }
0x135: {  	[tilespmem:$0x410] =	vst v35  }
0x136: {  	v35 =	vld.idx.msk [tilespmem:v43+s2+$0x0], $0xffff;
	_ =	sdelay $0x4  }
0x137: {  	v35 =	vmul.u32 $0x9, v35;
	_ =	sdelay $0x1  }
0x138: {  	v35 =	vadd.s32 v13, v35;
	_ =	sdelay $0x4  }
0x139: {  	v35 =	vld.idx.msk [tilespmem:v35+s11+$0x0], $0xffff;
	_ =	sdelay $0x4  }
0x13a: {  	[tilespmem:$0x420] =	vst v35  }
0x13b: {  	v35 =	vld.idx.msk [tilespmem:v44+s2+$0x0], $0xffff;
	_ =	sdelay $0x4  }
0x13c: {  	v35 =	vmul.u32 $0x9, v35;
	_ =	sdelay $0x1  }
0x13d: {  	v35 =	vadd.s32 v15, v35;
	_ =	sdelay $0x4  }
0x13e: {  	v35 =	vld.idx.msk [tilespmem:v35+s11+$0x0], $0xffff;
	_ =	sdelay $0x4  }
0x13f: {  	[tilespmem:$0x430] =	vst v35  }
0x140: {  	v35 =	vld.idx.msk [tilespmem:v34+s2+$0x0], $0xffff;
	_ =	sdelay $0x4  }
0x141: {  	v35 =	vmul.u32 $0x9, v35;
	_ =	sdelay $0x1  }
0x142: {  	v35 =	vadd.s32 v16, v35;
	_ =	sdelay $0x4  }
0x143: {  	v35 =	vld.idx.msk [tilespmem:v35+s11+$0x0], $0xffff;
	_ =	sdelay $0x4  }
0x144: {  	[tilespmem:$0x440] =	vst v35  }
0x145: {  	v35 =	vld.idx.msk [tilespmem:v45+s2+$0x0], $0xffff;
	_ =	sdelay $0x4  }
0x146: {  	v35 =	vmul.u32 $0x9, v35;
	_ =	sdelay $0x1  }
0x147: {  	v35 =	vadd.s32 v18, v35;
	_ =	sdelay $0x4  }
0x148: {  	v35 =	vld.idx.msk [tilespmem:v35+s11+$0x0], $0xffff;
	_ =	sdelay $0x4  }
0x149: {  	[tilespmem:$0x450] =	vst v35  }
0x14a: {  	v35 =	vld.idx.msk [tilespmem:v46+s2+$0x0], $0xffff;
	_ =	sdelay $0x4  }
0x14b: {  	v35 =	vmul.u32 $0x9, v35;
	_ =	sdelay $0x1  }
0x14c: {  	v35 =	vadd.s32 v20, v35;
	_ =	sdelay $0x4  }
0x14d: {  	v35 =	vld.idx.msk [tilespmem:v35+s11+$0x0], $0xffff;
	_ =	sdelay $0x4  }
0x14e: {  	[tilespmem:$0x460] =	vst v35  }
0x14f: {  	v35 =	vld.idx.msk [tilespmem:v47+s2+$0x0], $0xffff;
	_ =	sdelay $0x4  }
0x150: {  	v35 =	vmul.u32 $0x9, v35;
	_ =	sdelay $0x1  }
0x151: {  	v35 =	vadd.s32 v22, v35;
	_ =	sdelay $0x4  }
0x152: {  	v35 =	vld.idx.msk [tilespmem:v35+s11+$0x0], $0xffff;
	_ =	sdelay $0x4  }
0x153: {  	[tilespmem:$0x470] =	vst v35  }
0x154: {  	v35 =	vld.idx.msk [tilespmem:v48+s2+$0x0], $0xffff;
	_ =	sdelay $0x4  }
0x155: {  	v35 =	vmul.u32 $0x9, v35;
	_ =	sdelay $0x1  }
0x156: {  	v35 =	vadd.s32 v24, v35;
	_ =	sdelay $0x4  }
0x157: {  	v35 =	vld.idx.msk [tilespmem:v35+s11+$0x0], $0xffff;
	_ =	sdelay $0x4  }
0x158: {  	[tilespmem:$0x480] =	vst v35  }
0x159: {  	v35 =	vld.idx.msk [tilespmem:v49+s2+$0x0], $0xffff;
	_ =	sdelay $0x4  }
0x15a: {  	v35 =	vmul.u32 $0x9, v35;
	_ =	sdelay $0x1  }
0x15b: {  	v35 =	vadd.s32 v9, v35;
	_ =	sdelay $0x4  }
0x15c: {  	v35 =	vld.idx.msk [tilespmem:v35+s11+$0x0], $0xffff;
	_ =	sdelay $0x4  }
0x15d: {  	[tilespmem:$0x490] =	vst v35  }
0x15e: {  	v35 =	vld.idx.msk [tilespmem:v50+s2+$0x0], $0xffff;
	_ =	sdelay $0x4  }
0x15f: {  	v35 =	vmul.u32 $0x9, v35;
	_ =	sdelay $0x1  }
0x160: {  	v35 =	vadd.s32 v11, v35;
	_ =	sdelay $0x4  }
0x161: {  	v35 =	vld.idx.msk [tilespmem:v35+s11+$0x0], $0xffff;
	_ =	sdelay $0x4  }
0x162: {  	[tilespmem:$0x4A0] =	vst v35  }
0x163: {  	v35 =	vld.idx.msk [tilespmem:v51+s2+$0x0], $0xffff;
	_ =	sdelay $0x4  }
0x164: {  	v35 =	vmul.u32 $0x9, v35;
	_ =	sdelay $0x1  }
0x165: {  	v35 =	vadd.s32 v13, v35;
	_ =	sdelay $0x4  }
0x166: {  	v35 =	vld.idx.msk [tilespmem:v35+s11+$0x0], $0xffff;
	_ =	sdelay $0x4  }
0x167: {  	[tilespmem:$0x4B0] =	vst v35  }
0x168: {  	v35 =	vld.idx.msk [tilespmem:v52+s2+$0x0], $0xffff;
	_ =	sdelay $0x4  }
0x169: {  	v35 =	vmul.u32 $0x9, v35;
	_ =	sdelay $0x1  }
0x16a: {  	v35 =	vadd.s32 v15, v35;
	_ =	sdelay $0x4  }
0x16b: {  	v35 =	vld.idx.msk [tilespmem:v35+s11+$0x0], $0xffff  }
0x16c: {  	v36 =	vadd.s32 $0x47, v28;
	_ =	sdelay $0x3  }
0x16d: {  	[tilespmem:$0x4C0] =	vst v35  }
0x16e: {  	v35 =	vld.idx.msk [tilespmem:v36+s2+$0x0], $0xffff;
	_ =	sdelay $0x4  }
0x16f: {  	v35 =	vmul.u32 $0x9, v35;
	_ =	sdelay $0x1  }
0x170: {  	v35 =	vadd.s32 v16, v35;
	_ =	sdelay $0x4  }
0x171: {  	v35 =	vld.idx.msk [tilespmem:v35+s11+$0x0], $0xffff;
	_ =	sdelay $0x4  }
0x172: {  	[tilespmem:$0x4D0] =	vst v35  }
0x173: {  	v35 =	vld.idx.msk [tilespmem:v53+s2+$0x0], $0xffff;
	_ =	sdelay $0x4  }
0x174: {  	v35 =	vmul.u32 $0x9, v35;
	_ =	sdelay $0x1  }
0x175: {  	v35 =	vadd.s32 v18, v35;
	_ =	sdelay $0x4  }
0x176: {  	v35 =	vld.idx.msk [tilespmem:v35+s11+$0x0], $0xffff;
	_ =	sdelay $0x4  }
0x177: {  	[tilespmem:$0x4E0] =	vst v35  }
0x178: {  	v35 =	vld.idx.msk [tilespmem:v54+s2+$0x0], $0xffff;
	_ =	sdelay $0x4  }
0x179: {  	v35 =	vmul.u32 $0x9, v35;
	_ =	sdelay $0x1  }
0x17a: {  	v35 =	vadd.s32 v20, v35;
	_ =	sdelay $0x4  }
0x17b: {  	v35 =	vld.idx.msk [tilespmem:v35+s11+$0x0], $0xffff;
	_ =	sdelay $0x4  }
0x17c: {  	[tilespmem:$0x4F0] =	vst v35  }
0x17d: {  	v35 =	vld.idx.msk [tilespmem:v55+s2+$0x0], $0xffff;
	_ =	sdelay $0x4  }
0x17e: {  	v35 =	vmul.u32 $0x9, v35;
	_ =	sdelay $0x1  }
0x17f: {  	v35 =	vadd.s32 v22, v35;
	_ =	sdelay $0x4  }
0x180: {  	v35 =	vld.idx.msk [tilespmem:v35+s11+$0x0], $0xffff;
	_ =	sdelay $0x4  }
0x181: {  	[tilespmem:$0x500] =	vst v35  }
0x182: {  	v35 =	vld.idx.msk [tilespmem:v56+s2+$0x0], $0xffff;
	_ =	sdelay $0x4  }
0x183: {  	v35 =	vmul.u32 $0x9, v35;
	_ =	sdelay $0x1  }
0x184: {  	v35 =	vadd.s32 v24, v35;
	_ =	sdelay $0x4  }
0x185: {  	v35 =	vld.idx.msk [tilespmem:v35+s11+$0x0], $0xffff;
	_ =	sdelay $0x4  }
0x186: {  	[tilespmem:$0x510] =	vst v35  }
0x187: {  	v35 =	vld.idx.msk [tilespmem:v57+s2+$0x0], $0xffff;
	_ =	sdelay $0x4  }
0x188: {  	v35 =	vmul.u32 $0x9, v35;
	_ =	sdelay $0x1  }
0x189: {  	v35 =	vadd.s32 v9, v35;
	_ =	sdelay $0x4  }
0x18a: {  	v35 =	vld.idx.msk [tilespmem:v35+s11+$0x0], $0xffff;
	_ =	sdelay $0x4  }
0x18b: {  	[tilespmem:$0x520] =	vst v35  }
0x18c: {  	v35 =	vld.idx.msk [tilespmem:v58+s2+$0x0], $0xffff;
	_ =	sdelay $0x4  }
0x18d: {  	v35 =	vmul.u32 $0x9, v35;
	_ =	sdelay $0x1  }
0x18e: {  	v35 =	vadd.s32 v11, v35;
	_ =	sdelay $0x4  }
0x18f: {  	v35 =	vld.idx.msk [tilespmem:v35+s11+$0x0], $0xffff;
	_ =	sdelay $0x4  }
0x190: {  	[tilespmem:$0x530] =	vst v35  }
0x191: {  	v35 =	vld.idx.msk [tilespmem:v59+s2+$0x0], $0xffff;
	_ =	sdelay $0x4  }
0x192: {  	v35 =	vmul.u32 $0x9, v35;
	_ =	sdelay $0x1  }
0x193: {  	v35 =	vadd.s32 v13, v35;
	_ =	sdelay $0x4  }
0x194: {  	v35 =	vld.idx.msk [tilespmem:v35+s11+$0x0], $0xffff;
	_ =	sdelay $0x4  }
0x195: {  	[tilespmem:$0x540] =	vst v35  }
0x196: {  	v35 =	vld.idx.msk [tilespmem:v60+s2+$0x0], $0xffff;
	_ =	sdelay $0x4  }
0x197: {  	v35 =	vmul.u32 $0x9, v35;
	_ =	sdelay $0x1  }
0x198: {  	v35 =	vadd.s32 v15, v35;
	_ =	sdelay $0x4  }
0x199: {  	v35 =	vld.idx.msk [tilespmem:v35+s11+$0x0], $0xffff  }
0x19a: {  	v36 =	vadd.s32 $0x57, v28;
	_ =	sdelay $0x3  }
0x19b: {  	[tilespmem:$0x550] =	vst v35  }
0x19c: {  	v35 =	vld.idx.msk [tilespmem:v36+s2+$0x0], $0xffff;
	_ =	sdelay $0x4  }
0x19d: {  	v35 =	vmul.u32 $0x9, v35;
	_ =	sdelay $0x1  }
0x19e: {  	v35 =	vadd.s32 v16, v35;
	_ =	sdelay $0x4  }
0x19f: {  	v35 =	vld.idx.msk [tilespmem:v35+s11+$0x0], $0xffff;
	_ =	sdelay $0x4  }
0x1a0: {  	[tilespmem:$0x560] =	vst v35  }
0x1a1: {  	v35 =	vld.idx.msk [tilespmem:v61+s2+$0x0], $0xffff;
	_ =	sdelay $0x4  }
0x1a2: {  	v35 =	vmul.u32 $0x9, v35;
	_ =	sdelay $0x1  }
0x1a3: {  	v35 =	vadd.s32 v18, v35;
	_ =	sdelay $0x4  }
0x1a4: {  	v35 =	vld.idx.msk [tilespmem:v35+s11+$0x0], $0xffff;
	_ =	sdelay $0x4  }
0x1a5: {  	[tilespmem:$0x570] =	vst v35  }
0x1a6: {  	v35 =	vld.idx.msk [tilespmem:v62+s2+$0x0], $0xffff;
	_ =	sdelay $0x4  }
0x1a7: {  	v35 =	vmul.u32 $0x9, v35;
	_ =	sdelay $0x1  }
0x1a8: {  	v35 =	vadd.s32 v20, v35;
	_ =	sdelay $0x4  }
0x1a9: {  	v35 =	vld.idx.msk [tilespmem:v35+s11+$0x0], $0xffff;
	_ =	sdelay $0x4  }
0x1aa: {  	[tilespmem:$0x580] =	vst v35  }
0x1ab: {  	v35 =	vld.idx.msk [tilespmem:v63+s2+$0x0], $0xffff;
	_ =	sdelay $0x4  }
0x1ac: {  	v35 =	vmul.u32 $0x9, v35;
	_ =	sdelay $0x1  }
0x1ad: {  	v35 =	vadd.s32 v22, v35;
	_ =	sdelay $0x4  }
0x1ae: {  	v35 =	vld.idx.msk [tilespmem:v35+s11+$0x0], $0xffff;
	_ =	sdelay $0x4  }
0x1af: {  	[tilespmem:$0x590] =	vst v35  }
0x1b0: {  	v35 =	vld.idx.msk [tilespmem:v0+s2+$0x0], $0xffff;
	_ =	sdelay $0x4  }
0x1b1: {  	v35 =	vmul.u32 $0x9, v35;
	_ =	sdelay $0x1  }
0x1b2: {  	v35 =	vadd.s32 v24, v35;
	_ =	sdelay $0x4  }
0x1b3: {  	v35 =	vld.idx.msk [tilespmem:v35+s11+$0x0], $0xffff;
	_ =	sdelay $0x4  }
0x1b4: {  	[tilespmem:$0x5A0] =	vst v35  }
0x1b5: {  	v35 =	vld.idx.msk [tilespmem:v1+s2+$0x0], $0xffff;
	_ =	sdelay $0x4  }
0x1b6: {  	v35 =	vmul.u32 $0x9, v35;
	_ =	sdelay $0x1  }
0x1b7: {  	v35 =	vadd.s32 v9, v35;
	_ =	sdelay $0x4  }
0x1b8: {  	v35 =	vld.idx.msk [tilespmem:v35+s11+$0x0], $0xffff;
	_ =	sdelay $0x4  }
0x1b9: {  	[tilespmem:$0x5B0] =	vst v35  }
0x1ba: {  	v35 =	vld.idx.msk [tilespmem:v2+s2+$0x0], $0xffff;
	_ =	sdelay $0x4  }
0x1bb: {  	v35 =	vmul.u32 $0x9, v35;
	_ =	sdelay $0x1  }
0x1bc: {  	v35 =	vadd.s32 v11, v35;
	_ =	sdelay $0x4  }
0x1bd: {  	v35 =	vld.idx.msk [tilespmem:v35+s11+$0x0], $0xffff;
	_ =	sdelay $0x4  }
0x1be: {  	[tilespmem:$0x5C0] =	vst v35  }
0x1bf: {  	v35 =	vld.idx.msk [tilespmem:v3+s2+$0x0], $0xffff;
	_ =	sdelay $0x4  }
0x1c0: {  	v35 =	vmul.u32 $0x9, v35;
	_ =	sdelay $0x1  }
0x1c1: {  	v35 =	vadd.s32 v13, v35;
	_ =	sdelay $0x4  }
0x1c2: {  	v35 =	vld.idx.msk [tilespmem:v35+s11+$0x0], $0xffff;
	_ =	sdelay $0x4  }
0x1c3: {  	[tilespmem:$0x5D0] =	vst v35  }
0x1c4: {  	v35 =	vld.idx.msk [tilespmem:v4+s2+$0x0], $0xffff;
	_ =	sdelay $0x4  }
0x1c5: {  	v35 =	vmul.u32 $0x9, v35;
	_ =	sdelay $0x1  }
0x1c6: {  	v35 =	vadd.s32 v15, v35;
	_ =	sdelay $0x4  }
0x1c7: {  	v35 =	vld.idx.msk [tilespmem:v35+s11+$0x0], $0xffff  }
0x1c8: {  	v36 =	vadd.s32 $0x67, v28;
	_ =	sdelay $0x3  }
0x1c9: {  	[tilespmem:$0x5E0] =	vst v35  }
0x1ca: {  	v35 =	vld.idx.msk [tilespmem:v36+s2+$0x0], $0xffff;
	_ =	sdelay $0x4  }
0x1cb: {  	v35 =	vmul.u32 $0x9, v35;
	_ =	sdelay $0x1  }
0x1cc: {  	v35 =	vadd.s32 v16, v35;
	_ =	sdelay $0x4  }
0x1cd: {  	v35 =	vld.idx.msk [tilespmem:v35+s11+$0x0], $0xffff;
	_ =	sdelay $0x4  }
0x1ce: {  	[tilespmem:$0x5F0] =	vst v35  }
0x1cf: {  	v35 =	vld.idx.msk [tilespmem:v5+s2+$0x0], $0xffff;
	_ =	sdelay $0x4  }
0x1d0: {  	v35 =	vmul.u32 $0x9, v35;
	_ =	sdelay $0x1  }
0x1d1: {  	v35 =	vadd.s32 v18, v35;
	_ =	sdelay $0x4  }
0x1d2: {  	v35 =	vld.idx.msk [tilespmem:v35+s11+$0x0], $0xffff;
	_ =	sdelay $0x4  }
0x1d3: {  	[tilespmem:$0x600] =	vst v35  }
0x1d4: {  	v35 =	vld.idx.msk [tilespmem:v6+s2+$0x0], $0xffff;
	_ =	sdelay $0x4  }
0x1d5: {  	v35 =	vmul.u32 $0x9, v35;
	_ =	sdelay $0x1  }
0x1d6: {  	v35 =	vadd.s32 v20, v35;
	_ =	sdelay $0x4  }
0x1d7: {  	v35 =	vld.idx.msk [tilespmem:v35+s11+$0x0], $0xffff;
	_ =	sdelay $0x4  }
0x1d8: {  	[tilespmem:$0x610] =	vst v35  }
0x1d9: {  	v35 =	vld.idx.msk [tilespmem:v7+s2+$0x0], $0xffff;
	_ =	sdelay $0x4  }
0x1da: {  	v35 =	vmul.u32 $0x9, v35;
	_ =	sdelay $0x1  }
0x1db: {  	v35 =	vadd.s32 v22, v35;
	_ =	sdelay $0x4  }
0x1dc: {  	v35 =	vld.idx.msk [tilespmem:v35+s11+$0x0], $0xffff;
	_ =	sdelay $0x4  }
0x1dd: {  	[tilespmem:$0x620] =	vst v35  }
0x1de: {  	v35 =	vld.idx.msk [tilespmem:v8+s2+$0x0], $0xffff;
	_ =	sdelay $0x4  }
0x1df: {  	v35 =	vmul.u32 $0x9, v35;
	_ =	sdelay $0x1  }
0x1e0: {  	v35 =	vadd.s32 v24, v35;
	_ =	sdelay $0x4  }
0x1e1: {  	v35 =	vld.idx.msk [tilespmem:v35+s11+$0x0], $0xffff;
	_ =	sdelay $0x4  }
0x1e2: {  	[tilespmem:$0x630] =	vst v35  }
0x1e3: {  	v35 =	vld.idx.msk [tilespmem:v10+s2+$0x0], $0xffff;
	_ =	sdelay $0x4  }
0x1e4: {  	v35 =	vmul.u32 $0x9, v35;
	_ =	sdelay $0x1  }
0x1e5: {  	v35 =	vadd.s32 v9, v35;
	_ =	sdelay $0x4  }
0x1e6: {  	v35 =	vld.idx.msk [tilespmem:v35+s11+$0x0], $0xffff;
	_ =	sdelay $0x4  }
0x1e7: {  	[tilespmem:$0x640] =	vst v35  }
0x1e8: {  	v35 =	vld.idx.msk [tilespmem:v12+s2+$0x0], $0xffff;
	_ =	sdelay $0x4  }
0x1e9: {  	v35 =	vmul.u32 $0x9, v35;
	_ =	sdelay $0x1  }
0x1ea: {  	v35 =	vadd.s32 v11, v35;
	_ =	sdelay $0x4  }
0x1eb: {  	v35 =	vld.idx.msk [tilespmem:v35+s11+$0x0], $0xffff;
	_ =	sdelay $0x4  }
0x1ec: {  	[tilespmem:$0x650] =	vst v35  }
0x1ed: {  	v35 =	vld.idx.msk [tilespmem:v14+s2+$0x0], $0xffff;
	_ =	sdelay $0x4  }
0x1ee: {  	v35 =	vmul.u32 $0x9, v35;
	_ =	sdelay $0x1  }
0x1ef: {  	v35 =	vadd.s32 v13, v35;
	_ =	sdelay $0x4  }
0x1f0: {  	v35 =	vld.idx.msk [tilespmem:v35+s11+$0x0], $0xffff;
	_ =	sdelay $0x4  }
0x1f1: {  	[tilespmem:$0x660] =	vst v35  }
0x1f2: {  	v35 =	vld.idx.msk [tilespmem:v17+s2+$0x0], $0xffff;
	_ =	sdelay $0x4  }
0x1f3: {  	v35 =	vmul.u32 $0x9, v35;
	_ =	sdelay $0x1  }
0x1f4: {  	v35 =	vadd.s32 v15, v35;
	_ =	sdelay $0x4  }
0x1f5: {  	v35 =	vld.idx.msk [tilespmem:v35+s11+$0x0], $0xffff  }
0x1f6: {  	v36 =	vadd.s32 $0x77, v28;
	_ =	sdelay $0x3  }
0x1f7: {  	[tilespmem:$0x670] =	vst v35  }
0x1f8: {  	v35 =	vld.idx.msk [tilespmem:v36+s2+$0x0], $0xffff;
	_ =	sdelay $0x4  }
0x1f9: {  	v35 =	vmul.u32 $0x9, v35;
	_ =	sdelay $0x1  }
0x1fa: {  	v35 =	vadd.s32 v16, v35;
	_ =	sdelay $0x4  }
0x1fb: {  	v35 =	vld.idx.msk [tilespmem:v35+s11+$0x0], $0xffff;
	_ =	sdelay $0x4  }
0x1fc: {  	[tilespmem:$0x680] =	vst v35  }
0x1fd: {  	v35 =	vld.idx.msk [tilespmem:v19+s2+$0x0], $0xffff;
	_ =	sdelay $0x4  }
0x1fe: {  	v35 =	vmul.u32 $0x9, v35;
	_ =	sdelay $0x1  }
0x1ff: {  	v35 =	vadd.s32 v18, v35;
	_ =	sdelay $0x4  }
0x200: {  	v35 =	vld.idx.msk [tilespmem:v35+s11+$0x0], $0xffff;
	_ =	sdelay $0x4  }
0x201: {  	[tilespmem:$0x690] =	vst v35  }
0x202: {  	v35 =	vld.idx.msk [tilespmem:v21+s2+$0x0], $0xffff;
	_ =	sdelay $0x4  }
0x203: {  	v35 =	vmul.u32 $0x9, v35;
	_ =	sdelay $0x1  }
0x204: {  	v35 =	vadd.s32 v20, v35;
	_ =	sdelay $0x4  }
0x205: {  	v35 =	vld.idx.msk [tilespmem:v35+s11+$0x0], $0xffff;
	_ =	sdelay $0x4  }
0x206: {  	[tilespmem:$0x6A0] =	vst v35  }
0x207: {  	v35 =	vld.idx.msk [tilespmem:v23+s2+$0x0], $0xffff;
	_ =	sdelay $0x4  }
0x208: {  	v35 =	vmul.u32 $0x9, v35;
	_ =	sdelay $0x1  }
0x209: {  	v35 =	vadd.s32 v22, v35;
	_ =	sdelay $0x4  }
0x20a: {  	v35 =	vld.idx.msk [tilespmem:v35+s11+$0x0], $0xffff;
	_ =	sdelay $0x4  }
0x20b: {  	[tilespmem:$0x6B0] =	vst v35  }
0x20c: {  	v35 =	vld.idx.msk [tilespmem:v25+s2+$0x0], $0xffff;
	_ =	sdelay $0x4  }
0x20d: {  	v35 =	vmul.u32 $0x9, v35;
	_ =	sdelay $0x1  }
0x20e: {  	v35 =	vadd.s32 v24, v35;
	_ =	sdelay $0x4  }
0x20f: {  	v35 =	vld.idx.msk [tilespmem:v35+s11+$0x0], $0xffff;
	_ =	sdelay $0x3  }
0x210: {  	p0 =	sne.s32 s7, $0x1  }
.Ltmp0:
0x211: {  	[tilespmem:$0x6C0] =	vst v35;
	(pc) =	sbr.rel @p0 .LBB2_1-.Ltmp0, $4  }
0x212: {  	[hbm4b:s6+s2] =	stream.linear.scatter [tilespmem:s12], [sflag:$0x2], $0x480, $0x38;
	[tilespmem:$0x6D0] =	vst v63  }
0x213: {  	_ =	swait.ge [sflag:s13], $0x480  }
0x214: {  	[sflag:s13] =	ssyncset.done $0x0  }
0x215: {  	s7 =	sadd.s32 $0xFFFFFFFF, s7;
	[sflag:s13] =	ssyncadd.s32 $0xFFFFFB80  }
0x216: {  	_ =	sfence.sel $0x180000  }
0x217: {  	[bflag:$0x0] =	sbarrier.arrive $0xFFFF  }
0x218: {  	p0 =	sne.s32 s1, $0x0;
	_ =	strace $0x90000047  }
0x219: {  	s0 =	sadd.s32 @!p0 $0x100000, s0;
	[bflag:$0x2] =	sbarrier.arrive $0xFFFF  }
0x21a: {  	[sflag:s0] =	ssyncadd.tile.s32 @!p0 $0x1;
	_ =	shalt  }
.Lfunc_end2:
_tile_overlayer_lowered:
.L_overlay_start_2:
0x21b: {  	(tag) =	ssettag $0x2  }
0x21c: {  	s0 =	rddreg [dreg:$0x0];
	s2 =	stileid.u32  }
0x21d: {  	s1 =	rddreg [dreg:$0x1];
	p0 =	sne.s32 s2, $0x0  }
0x21e: {  	s3 =	rddreg [dreg:$0x2];
	[bflag:$0x3] =	sbarrier.arrive $0xFFFF;
	s2 =	simm.s32 @!p0 $0x1C02  }
0x21f: {  	[timem:s3], [sflag:s2] =	dma.local @!p0 [hbm:s0], s1  }
0x220: {  	s0 =	simm.s32 @!p0 $0x2  }
0x221: {  	_ =	swait.ge @!p0 [sflag:s0], s1  }
0x222: {  	s1 =	ssub.s32 @!p0 $0x0, s1;
	[sflag:s0] =	ssyncset.done @!p0 $0x0  }
0x223: {  	[sflag:s0] =	ssyncadd.s32 @!p0 s1  }
0x224: {  	[bflag:$0x3] =	sbarrier.arrive $0xFFFF  }
0x225: {  	_ =	shalt  }

</sc_bundles>
